<compile_context>
chip_gen: v7x
topology: tpu7x:2x2x1
jax: 0.10.2.dev20260603
libtpu: 0.0.44.dev20260713+nightly
codegen_flags: <defaults>
</compile_context>

<pallas_src>
import functools

import jax
import jax.numpy as jnp
from jax import lax
from jax.experimental import pallas as pl
from jax.experimental.pallas import tpu as pltpu
from jax.experimental.pallas import tpu_sc as plsc

N = 10000
E = 320000
H = 128
C = 51
CP = 64

NC = 2
NS = 16
NW = NC * NS
L = 16

N_PAD = 10240
ROWS_PER_TILE = N_PAD // NS
EPW = E // NW
K = 128
NCH = EPW // K
REM = EPW - NCH * K


def _vsc_mesh():
    return plsc.VectorSubcoreMesh(core_axis_name="c", subcore_axis_name="s")


@functools.partial(
    pl.kernel,
    out_type=jax.ShapeDtypeStruct((NC, N_PAD, H), jnp.float32),
    mesh=_vsc_mesh(),
    scratch_types=[
        pltpu.VMEM((K,), jnp.int32),
        pltpu.VMEM((K,), jnp.int32),
        pltpu.VMEM((K, H), jnp.float32),
        pltpu.VMEM((REM,), jnp.int32),
        pltpu.VMEM((REM,), jnp.int32),
        pltpu.VMEM((REM, H), jnp.float32),
        pltpu.VMEM_SHARED((N_PAD, H), jnp.float32),
        pltpu.SemaphoreType.DMA,
    ],
)
def _sc_segment_sum(x_hbm, src_hbm, dst_hbm, zeros_hbm, out_hbm,
                    sidx, didx, rows, sidx_r, didx_r, rows_r, agg_sh, sem):
    c = lax.axis_index("c")
    s = lax.axis_index("s")
    wid = s * NC + c
    row0 = s * ROWS_PER_TILE
    pltpu.sync_copy(zeros_hbm, agg_sh.at[pl.ds(row0, ROWS_PER_TILE)])
    plsc.subcore_barrier()

    ebase = wid * EPW

    def chunk(i, carry):
        off = ebase + i * K
        pltpu.sync_copy(src_hbm.at[pl.ds(off, K)], sidx)
        pltpu.sync_copy(dst_hbm.at[pl.ds(off, K)], didx)
        pltpu.async_copy(x_hbm.at[sidx], rows, sem).wait()
        pltpu.sync_copy(rows, agg_sh.at[didx], add=True)
        return carry

    lax.fori_loop(0, NCH, chunk, 0)

    off = ebase + NCH * K
    pltpu.sync_copy(src_hbm.at[pl.ds(off, REM)], sidx_r)
    pltpu.sync_copy(dst_hbm.at[pl.ds(off, REM)], didx_r)
    pltpu.async_copy(x_hbm.at[sidx_r], rows_r, sem).wait()
    pltpu.sync_copy(rows_r, agg_sh.at[didx_r], add=True)

    plsc.subcore_barrier()
    pltpu.sync_copy(agg_sh.at[pl.ds(row0, ROWS_PER_TILE)],
                    out_hbm.at[c, pl.ds(row0, ROWS_PER_TILE)])


@functools.partial(
    pl.kernel,
    out_type=jax.ShapeDtypeStruct((E, CP), jnp.float32),
    mesh=_vsc_mesh(),
    compiler_params=pltpu.CompilerParams(use_tc_tiling_on_sc=False),
    scratch_types=[
        pltpu.VMEM((K,), jnp.int32),
        pltpu.VMEM((K,), jnp.int32),
        pltpu.VMEM((K, CP), jnp.float32),
        pltpu.VMEM((K, CP), jnp.float32),
        pltpu.VMEM((REM,), jnp.int32),
        pltpu.VMEM((REM,), jnp.int32),
        pltpu.VMEM((REM, CP), jnp.float32),
        pltpu.VMEM((REM, CP), jnp.float32),
        pltpu.SemaphoreType.DMA,
    ],
)
def _sc_head(psrc_hbm, pdst_hbm, src_hbm, dst_hbm, out_hbm,
             sidx, didx, ra, rb, sidx_r, didx_r, ra_r, rb_r, sem):
    c = lax.axis_index("c")
    s = lax.axis_index("s")
    wid = s * NC + c
    ebase = wid * EPW
    ncol = CP // L

    def add_rows(a, b, nrows):
        def row_body(r, carry):
            for j in range(ncol):
                sl = pl.ds(j * L, L)
                a[r, sl] = a[r, sl] + b[r, sl]
            return carry
        lax.fori_loop(0, nrows, row_body, 0)

    def chunk(i, carry):
        off = ebase + i * K
        pltpu.sync_copy(src_hbm.at[pl.ds(off, K)], sidx)
        pltpu.sync_copy(dst_hbm.at[pl.ds(off, K)], didx)
        pltpu.async_copy(psrc_hbm.at[sidx], ra, sem).wait()
        pltpu.async_copy(pdst_hbm.at[didx], rb, sem).wait()
        add_rows(ra, rb, K)
        pltpu.sync_copy(ra, out_hbm.at[pl.ds(off, K)])
        return carry

    lax.fori_loop(0, NCH, chunk, 0)

    off = ebase + NCH * K
    pltpu.sync_copy(src_hbm.at[pl.ds(off, REM)], sidx_r)
    pltpu.sync_copy(dst_hbm.at[pl.ds(off, REM)], didx_r)
    pltpu.async_copy(psrc_hbm.at[sidx_r], ra_r, sem).wait()
    pltpu.async_copy(pdst_hbm.at[didx_r], rb_r, sem).wait()
    add_rows(ra_r, rb_r, REM)
    pltpu.sync_copy(ra_r, out_hbm.at[pl.ds(off, REM)])


def _tc_embed(obj, w, b):
    def body(x_ref, w_ref, b_ref, o_ref):
        o_ref[...] = jnp.maximum(
            jnp.dot(x_ref[...], w_ref[...], preferred_element_type=jnp.float32)
            + b_ref[...], 0.0)
    return pl.pallas_call(
        body, out_shape=jax.ShapeDtypeStruct((N, H), jnp.float32),
    )(obj, w, b)


def _tc_layer(agg, x, wr, wo, br):
    def body(agg_ref, x_ref, wr_ref, wo_ref, br_ref, o_ref):
        a = agg_ref[0, :N, :] + agg_ref[1, :N, :]
        o_ref[...] = jnp.maximum(
            jnp.dot(a, wr_ref[...], preferred_element_type=jnp.float32)
            + jnp.dot(x_ref[...], wo_ref[...], preferred_element_type=jnp.float32)
            + br_ref[...], 0.0)
    return pl.pallas_call(
        body, out_shape=jax.ShapeDtypeStruct((N, H), jnp.float32),
    )(agg, x, wr, wo, br)


def _tc_layer_head(agg, x, wr, wo, br, ws, wd, bh):
    def body(agg_ref, x_ref, wr_ref, wo_ref, br_ref, ws_ref, wd_ref, bh_ref,
             ps_ref, pd_ref):
        a = agg_ref[0, :N, :] + agg_ref[1, :N, :]
        x2 = jnp.maximum(
            jnp.dot(a, wr_ref[...], preferred_element_type=jnp.float32)
            + jnp.dot(x_ref[...], wo_ref[...], preferred_element_type=jnp.float32)
            + br_ref[...], 0.0)
        ps_ref[...] = jnp.dot(x2, ws_ref[...],
                              preferred_element_type=jnp.float32) + bh_ref[...]
        pd_ref[...] = jnp.dot(x2, wd_ref[...],
                              preferred_element_type=jnp.float32)
    return pl.pallas_call(
        body,
        out_shape=(jax.ShapeDtypeStruct((N, CP), jnp.float32),
                   jax.ShapeDtypeStruct((N, CP), jnp.float32)),
    )(agg, x, wr, wo, br, ws, wd, bh)


def kernel(object_features, edge_index, W_emb, b_emb, Wr0, br0, Wo0,
           Wr1, br1, Wo1, W_head, b_head):
    src = edge_index[0]
    dst = edge_index[1]
    zeros = jnp.zeros((ROWS_PER_TILE, H), jnp.float32)

    x = _tc_embed(object_features, W_emb, b_emb.reshape(1, H))

    agg0 = _sc_segment_sum(x, src, dst, zeros)
    x1 = _tc_layer(agg0, x, Wr0, Wo0, br0.reshape(1, H))

    ws = jnp.pad(W_head[:H], ((0, 0), (0, CP - C)))
    wd = jnp.pad(W_head[H:], ((0, 0), (0, CP - C)))
    bh = jnp.pad(b_head, (0, CP - C)).reshape(1, CP)

    agg1 = _sc_segment_sum(x1, src, dst, zeros)
    psrc, pdst = _tc_layer_head(agg1, x1, Wr1, Wo1, br1.reshape(1, H),
                                ws, wd, bh)

    out = _sc_head(psrc, pdst, src, dst)
    return out[:, :C]

# --- scband reference (transcript-rebuilt; emitter-appended) ---
"""Pipeline reference for scband-relation-gnn-84997402788219 (READ-ONLY COPY).

The authoritative reference and input builder live on the scoring server;
editing this copy changes nothing except your own understanding.
"""

import jax, jax.numpy as jnp
import numpy as np

N = 10000
E = 320000
D = 128
H = 128
C = 51

def setup_inputs(seed: int = 0):
    key = jax.random.key(seed)
    ks = jax.random.split(key, 12)
    inp = {}
    inp['object_features'] = jax.random.normal(ks[0], (N, D), dtype=jnp.float32)
    inp['edge_index'] = jax.random.randint(ks[1], (2, E), 0, N, dtype=jnp.int32)
    inp['W_emb'] = jax.random.normal(ks[2], (D, H), dtype=jnp.float32) / np.sqrt(D)
    inp['b_emb'] = jnp.zeros((H,), dtype=jnp.float32)
    inp['Wr0'] = jax.random.normal(ks[3], (H, H), dtype=jnp.float32) / np.sqrt(H)
    inp['br0'] = jnp.zeros((H,), dtype=jnp.float32)
    inp['Wo0'] = jax.random.normal(ks[4], (H, H), dtype=jnp.float32) / np.sqrt(H)
    inp['Wr1'] = jax.random.normal(ks[5], (H, H), dtype=jnp.float32) / np.sqrt(H)
    inp['br1'] = jnp.zeros((H,), dtype=jnp.float32)
    inp['Wo1'] = jax.random.normal(ks[6], (H, H), dtype=jnp.float32) / np.sqrt(H)
    inp['W_head'] = jax.random.normal(ks[7], (2 * H, C), dtype=jnp.float32) / np.sqrt(2 * H)
    inp['b_head'] = jnp.zeros((C,), dtype=jnp.float32)
    return inp

def reference(object_features, edge_index, W_emb, b_emb, Wr0, br0, Wo0, Wr1, br1, Wo1, W_head, b_head):
    # node embedding
    src = edge_index[0]
    dst = edge_index[1]
    x = jax.nn.relu(object_features @ W_emb + b_emb)
    # PyG GraphConv: out = lin_rel(sum_{j->i} x_j) + lin_root(x_i); lin_root has no bias
    for Wr, br, Wo in ((Wr0, br0, Wo0), (Wr1, br1, Wo1)):
        msg = jnp.take(x, src, axis=0)
        agg = jax.ops.segment_sum(msg, dst, num_segments=N)
        x = jax.nn.relu(agg @ Wr + br + x @ Wo)
    # relation head over edge endpoint pairs
    edge_features = jnp.concatenate([jnp.take(x, src, axis=0), jnp.take(x, dst, axis=0)], axis=-1)
    relation_logits = edge_features @ W_head + b_head
    return relation_logits

if __name__ == "__main__":
    import jax
    _d = setup_inputs()
    print(jax.jit(kernel)(*tuple(_d.values())))

</pallas_src>

<mosaic_0001>
#map = affine_map<(d0, d1) -> (0, 0)>
#map1 = affine_map<(d0, d1) -> (0)>
#map2 = affine_map<(d0, d1) -> (0, 0, 0)>
module attributes {stable_mosaic.version = 14 : i64} {
  func.func @_sc_segment_sum(%arg0: i32, %arg1: i32, %arg2: memref<10000x128xf32, #tpu.memory_space<hbm>>, %arg3: memref<320000xi32, #tpu.memory_space<hbm>>, %arg4: memref<320000xi32, #tpu.memory_space<hbm>>, %arg5: memref<640x128xf32, #tpu.memory_space<hbm>>, %arg6: memref<2x10240x128xf32, #tpu.memory_space<hbm>>, %arg7: memref<128xi32, #tpu.memory_space<vmem>>, %arg8: memref<128xi32, #tpu.memory_space<vmem>>, %arg9: memref<128x128xf32, #tpu.memory_space<vmem>>, %arg10: memref<16xi32, #tpu.memory_space<vmem>>, %arg11: memref<16xi32, #tpu.memory_space<vmem>>, %arg12: memref<16x128xf32, #tpu.memory_space<vmem>>, %arg13: memref<10240x128xf32, #tpu.memory_space<vmem_shared>>, %arg14: memref<!tpu.dma_semaphore, #tpu.memory_space<semaphore_mem>>) attributes {dimension_semantics = [#tpu.dimension_semantics<core_parallel>, #tpu.dimension_semantics<subcore_parallel>], iteration_bounds = array<i64: 2, 16>, scalar_prefetch = 0 : i64, scratch_operands = 8 : i64, tpu.core_type = #tpu.core_type<sc_vector_subcore>, window_params = [{transform_indices = #map}, {transform_indices = #map1}, {transform_indices = #map1}, {transform_indices = #map}, {transform_indices = #map2}]} {
    %mul3A = arith.constant 2 : i32
    %mul3A_0 = arith.muli %arg1, %mul3A : i32
    %add3A = arith.addi %mul3A_0, %arg0 : i32
    %mul3A_1 = arith.constant 640 : i32
    %mul3A_2 = arith.muli %arg1, %mul3A_1 : i32
    "tpu.region"() ({
      %run_scoped3A = tpu.sem_alloc : memref<!tpu.dma_semaphore, #tpu.memory_space<semaphore_mem>>
      %dma_start3A_17 = arith.constant 0 : i32
      %dma_start3A_18 = tpu.memref_slice %arg13[%mul3A_2, %dma_start3A_17] : memref<10240x128xf32, #tpu.memory_space<vmem_shared>> -> memref<640x128xf32, #tpu.memory_space<vmem_shared>>
      tpu.enqueue_dma source(%arg5 : memref<640x128xf32, #tpu.memory_space<hbm>>) target(%dma_start3A_18 : memref<640x128xf32, #tpu.memory_space<vmem_shared>>) target_semaphore(%run_scoped3A : memref<!tpu.dma_semaphore, #tpu.memory_space<semaphore_mem>>)
      %dma_wait3A_19 = arith.constant 0 : i32
      %dma_wait3A_20 = tpu.memref_slice %arg13[%mul3A_2, %dma_wait3A_19] : memref<10240x128xf32, #tpu.memory_space<vmem_shared>> -> memref<640x128xf32, #tpu.memory_space<vmem_shared>>
      tpu.wait_dma2 semaphore(%run_scoped3A : memref<!tpu.dma_semaphore, #tpu.memory_space<semaphore_mem>>) src(%arg5 : memref<640x128xf32, #tpu.memory_space<hbm>>) dst(%dma_wait3A_20 : memref<640x128xf32, #tpu.memory_space<vmem_shared>>)
      tpu.yield
    }) : () -> ()
    %barrier3A = arith.constant 0 : index
    tpu.barrier barrier_id(%barrier3A)
    %mul3A_3 = arith.constant 10000 : i32
    %mul3A_4 = arith.muli %add3A, %mul3A_3 : i32
    %scan3A = arith.constant 0 : i32
    %scan3A_5 = arith.constant 0 : i32
    %scan3A_6 = arith.constant 78 : i32
    %scan3A_7 = arith.addi %scan3A_5, %scan3A_6 : i32
    %scan3A_8 = arith.constant 1 : i32
    scf.for %scan3A_17 = %scan3A_5 to %scan3A_7 step %scan3A_8  : i32 {
      %mul3A_18 = arith.constant 128 : i32
      %mul3A_19 = arith.muli %scan3A_17, %mul3A_18 : i32
      %add3A_20 = arith.addi %mul3A_4, %mul3A_19 : i32
      "tpu.region"() ({
        %run_scoped3A = tpu.sem_alloc : memref<!tpu.dma_semaphore, #tpu.memory_space<semaphore_mem>>
        %dma_start3A_27 = tpu.memref_slice %arg3[%add3A_20] : memref<320000xi32, #tpu.memory_space<hbm>> -> memref<128xi32, #tpu.memory_space<hbm>>
        %dma_start3A_28 = tpu.memref_slice %arg3[%add3A_20] : memref<320000xi32, #tpu.memory_space<hbm>> -> memref<128xi32, #tpu.memory_space<hbm>>
        tpu.enqueue_dma source(%dma_start3A_28 : memref<128xi32, #tpu.memory_space<hbm>>) target(%arg7 : memref<128xi32, #tpu.memory_space<vmem>>) target_semaphore(%run_scoped3A : memref<!tpu.dma_semaphore, #tpu.memory_space<semaphore_mem>>)
        %dma_wait3A_29 = tpu.memref_slice %arg3[%add3A_20] : memref<320000xi32, #tpu.memory_space<hbm>> -> memref<128xi32, #tpu.memory_space<hbm>>
        %dma_wait3A_30 = tpu.memref_slice %arg3[%add3A_20] : memref<320000xi32, #tpu.memory_space<hbm>> -> memref<128xi32, #tpu.memory_space<hbm>>
        tpu.wait_dma2 semaphore(%run_scoped3A : memref<!tpu.dma_semaphore, #tpu.memory_space<semaphore_mem>>) src(%dma_wait3A_30 : memref<128xi32, #tpu.memory_space<hbm>>) dst(%arg7 : memref<128xi32, #tpu.memory_space<vmem>>)
        tpu.yield
      }) : () -> ()
      "tpu.region"() ({
        %run_scoped3A = tpu.sem_alloc : memref<!tpu.dma_semaphore, #tpu.memory_space<semaphore_mem>>
        %dma_start3A_27 = tpu.memref_slice %arg4[%add3A_20] : memref<320000xi32, #tpu.memory_space<hbm>> -> memref<128xi32, #tpu.memory_space<hbm>>
        %dma_start3A_28 = tpu.memref_slice %arg4[%add3A_20] : memref<320000xi32, #tpu.memory_space<hbm>> -> memref<128xi32, #tpu.memory_space<hbm>>
        tpu.enqueue_dma source(%dma_start3A_28 : memref<128xi32, #tpu.memory_space<hbm>>) target(%arg8 : memref<128xi32, #tpu.memory_space<vmem>>) target_semaphore(%run_scoped3A : memref<!tpu.dma_semaphore, #tpu.memory_space<semaphore_mem>>)
        %dma_wait3A_29 = tpu.memref_slice %arg4[%add3A_20] : memref<320000xi32, #tpu.memory_space<hbm>> -> memref<128xi32, #tpu.memory_space<hbm>>
        %dma_wait3A_30 = tpu.memref_slice %arg4[%add3A_20] : memref<320000xi32, #tpu.memory_space<hbm>> -> memref<128xi32, #tpu.memory_space<hbm>>
        tpu.wait_dma2 semaphore(%run_scoped3A : memref<!tpu.dma_semaphore, #tpu.memory_space<semaphore_mem>>) src(%dma_wait3A_30 : memref<128xi32, #tpu.memory_space<hbm>>) dst(%arg8 : memref<128xi32, #tpu.memory_space<vmem>>)
        tpu.yield
      }) : () -> ()
      %dma_start3A_21 = arith.constant 0 : i32
      %dma_start3A_22 = arith.constant 0 : i32
      %dma_start3A_23 = tpu.memref_slice %arg2[%dma_start3A_21, %dma_start3A_22] : memref<10000x128xf32, #tpu.memory_space<hbm>> -> memref<10000x128xf32, #tpu.memory_space<hbm>>
      tpu.enqueue_indirect_dma source(%dma_start3A_23 : memref<10000x128xf32, #tpu.memory_space<hbm>>) target(%arg9 : memref<128x128xf32, #tpu.memory_space<vmem>>) offsets(%arg7 : memref<128xi32, #tpu.memory_space<vmem>>) semaphore(%arg14 : memref<!tpu.dma_semaphore, #tpu.memory_space<semaphore_mem>>)
      %dma_wait3A_24 = arith.constant 0 : i32
      %dma_wait3A_25 = arith.constant 0 : i32
      %dma_wait3A_26 = tpu.memref_slice %arg2[%dma_wait3A_24, %dma_wait3A_25] : memref<10000x128xf32, #tpu.memory_space<hbm>> -> memref<10000x128xf32, #tpu.memory_space<hbm>>
      tpu.wait_indirect_dma semaphore(%arg14 : memref<!tpu.dma_semaphore, #tpu.memory_space<semaphore_mem>>) src(%dma_wait3A_26 : memref<10000x128xf32, #tpu.memory_space<hbm>>) dst(%arg9 : memref<128x128xf32, #tpu.memory_space<vmem>>)
      "tpu.region"() ({
        %run_scoped3A = tpu.sem_alloc : memref<!tpu.dma_semaphore, #tpu.memory_space<semaphore_mem>>
        %dma_start3A_27 = arith.constant 0 : i32
        %dma_start3A_28 = arith.constant 0 : i32
        %dma_start3A_29 = tpu.memref_slice %arg13[%dma_start3A_27, %dma_start3A_28] : memref<10240x128xf32, #tpu.memory_space<vmem_shared>> -> memref<10240x128xf32, #tpu.memory_space<vmem_shared>>
        tpu.enqueue_indirect_dma source(%arg9 : memref<128x128xf32, #tpu.memory_space<vmem>>) target(%dma_start3A_29 : memref<10240x128xf32, #tpu.memory_space<vmem_shared>>) offsets(%arg8 : memref<128xi32, #tpu.memory_space<vmem>>) semaphore(%run_scoped3A : memref<!tpu.dma_semaphore, #tpu.memory_space<semaphore_mem>>) {add = true}
        %dma_wait3A_30 = arith.constant 0 : i32
        %dma_wait3A_31 = arith.constant 0 : i32
        %dma_wait3A_32 = tpu.memref_slice %arg13[%dma_wait3A_30, %dma_wait3A_31] : memref<10240x128xf32, #tpu.memory_space<vmem_shared>> -> memref<10240x128xf32, #tpu.memory_space<vmem_shared>>
        tpu.wait_indirect_dma semaphore(%run_scoped3A : memref<!tpu.dma_semaphore, #tpu.memory_space<semaphore_mem>>) src(%arg9 : memref<128x128xf32, #tpu.memory_space<vmem>>) dst(%dma_wait3A_32 : memref<10240x128xf32, #tpu.memory_space<vmem_shared>>)
        tpu.yield
      }) : () -> ()
    }
    %scan3A_9 = arith.constant 78 : i32
    %add3A_10 = arith.constant 9984 : i32
    %add3A_11 = arith.addi %mul3A_4, %add3A_10 : i32
    "tpu.region"() ({
      %run_scoped3A = tpu.sem_alloc : memref<!tpu.dma_semaphore, #tpu.memory_space<semaphore_mem>>
      %dma_start3A_17 = tpu.memref_slice %arg3[%add3A_11] : memref<320000xi32, #tpu.memory_space<hbm>> -> memref<16xi32, #tpu.memory_space<hbm>>
      %dma_start3A_18 = tpu.memref_slice %arg3[%add3A_11] : memref<320000xi32, #tpu.memory_space<hbm>> -> memref<16xi32, #tpu.memory_space<hbm>>
      tpu.enqueue_dma source(%dma_start3A_18 : memref<16xi32, #tpu.memory_space<hbm>>) target(%arg10 : memref<16xi32, #tpu.memory_space<vmem>>) target_semaphore(%run_scoped3A : memref<!tpu.dma_semaphore, #tpu.memory_space<semaphore_mem>>)
      %dma_wait3A_19 = tpu.memref_slice %arg3[%add3A_11] : memref<320000xi32, #tpu.memory_space<hbm>> -> memref<16xi32, #tpu.memory_space<hbm>>
      %dma_wait3A_20 = tpu.memref_slice %arg3[%add3A_11] : memref<320000xi32, #tpu.memory_space<hbm>> -> memref<16xi32, #tpu.memory_space<hbm>>
      tpu.wait_dma2 semaphore(%run_scoped3A : memref<!tpu.dma_semaphore, #tpu.memory_space<semaphore_mem>>) src(%dma_wait3A_20 : memref<16xi32, #tpu.memory_space<hbm>>) dst(%arg10 : memref<16xi32, #tpu.memory_space<vmem>>)
      tpu.yield
    }) : () -> ()
    "tpu.region"() ({
      %run_scoped3A = tpu.sem_alloc : memref<!tpu.dma_semaphore, #tpu.memory_space<semaphore_mem>>
      %dma_start3A_17 = tpu.memref_slice %arg4[%add3A_11] : memref<320000xi32, #tpu.memory_space<hbm>> -> memref<16xi32, #tpu.memory_space<hbm>>
      %dma_start3A_18 = tpu.memref_slice %arg4[%add3A_11] : memref<320000xi32, #tpu.memory_space<hbm>> -> memref<16xi32, #tpu.memory_space<hbm>>
      tpu.enqueue_dma source(%dma_start3A_18 : memref<16xi32, #tpu.memory_space<hbm>>) target(%arg11 : memref<16xi32, #tpu.memory_space<vmem>>) target_semaphore(%run_scoped3A : memref<!tpu.dma_semaphore, #tpu.memory_space<semaphore_mem>>)
      %dma_wait3A_19 = tpu.memref_slice %arg4[%add3A_11] : memref<320000xi32, #tpu.memory_space<hbm>> -> memref<16xi32, #tpu.memory_space<hbm>>
      %dma_wait3A_20 = tpu.memref_slice %arg4[%add3A_11] : memref<320000xi32, #tpu.memory_space<hbm>> -> memref<16xi32, #tpu.memory_space<hbm>>
      tpu.wait_dma2 semaphore(%run_scoped3A : memref<!tpu.dma_semaphore, #tpu.memory_space<semaphore_mem>>) src(%dma_wait3A_20 : memref<16xi32, #tpu.memory_space<hbm>>) dst(%arg11 : memref<16xi32, #tpu.memory_space<vmem>>)
      tpu.yield
    }) : () -> ()
    %dma_start3A = arith.constant 0 : i32
    %dma_start3A_12 = arith.constant 0 : i32
    %dma_start3A_13 = tpu.memref_slice %arg2[%dma_start3A, %dma_start3A_12] : memref<10000x128xf32, #tpu.memory_space<hbm>> -> memref<10000x128xf32, #tpu.memory_space<hbm>>
    tpu.enqueue_indirect_dma source(%dma_start3A_13 : memref<10000x128xf32, #tpu.memory_space<hbm>>) target(%arg12 : memref<16x128xf32, #tpu.memory_space<vmem>>) offsets(%arg10 : memref<16xi32, #tpu.memory_space<vmem>>) semaphore(%arg14 : memref<!tpu.dma_semaphore, #tpu.memory_space<semaphore_mem>>)
    %dma_wait3A = arith.constant 0 : i32
    %dma_wait3A_14 = arith.constant 0 : i32
    %dma_wait3A_15 = tpu.memref_slice %arg2[%dma_wait3A, %dma_wait3A_14] : memref<10000x128xf32, #tpu.memory_space<hbm>> -> memref<10000x128xf32, #tpu.memory_space<hbm>>
    tpu.wait_indirect_dma semaphore(%arg14 : memref<!tpu.dma_semaphore, #tpu.memory_space<semaphore_mem>>) src(%dma_wait3A_15 : memref<10000x128xf32, #tpu.memory_space<hbm>>) dst(%arg12 : memref<16x128xf32, #tpu.memory_space<vmem>>)
    "tpu.region"() ({
      %run_scoped3A = tpu.sem_alloc : memref<!tpu.dma_semaphore, #tpu.memory_space<semaphore_mem>>
      %dma_start3A_17 = arith.constant 0 : i32
      %dma_start3A_18 = arith.constant 0 : i32
      %dma_start3A_19 = tpu.memref_slice %arg13[%dma_start3A_17, %dma_start3A_18] : memref<10240x128xf32, #tpu.memory_space<vmem_shared>> -> memref<10240x128xf32, #tpu.memory_space<vmem_shared>>
      tpu.enqueue_indirect_dma source(%arg12 : memref<16x128xf32, #tpu.memory_space<vmem>>) target(%dma_start3A_19 : memref<10240x128xf32, #tpu.memory_space<vmem_shared>>) offsets(%arg11 : memref<16xi32, #tpu.memory_space<vmem>>) semaphore(%run_scoped3A : memref<!tpu.dma_semaphore, #tpu.memory_space<semaphore_mem>>) {add = true}
      %dma_wait3A_20 = arith.constant 0 : i32
      %dma_wait3A_21 = arith.constant 0 : i32
      %dma_wait3A_22 = tpu.memref_slice %arg13[%dma_wait3A_20, %dma_wait3A_21] : memref<10240x128xf32, #tpu.memory_space<vmem_shared>> -> memref<10240x128xf32, #tpu.memory_space<vmem_shared>>
      tpu.wait_indirect_dma semaphore(%run_scoped3A : memref<!tpu.dma_semaphore, #tpu.memory_space<semaphore_mem>>) src(%arg12 : memref<16x128xf32, #tpu.memory_space<vmem>>) dst(%dma_wait3A_22 : memref<10240x128xf32, #tpu.memory_space<vmem_shared>>)
      tpu.yield
    }) : () -> ()
    %barrier3A_16 = arith.constant 0 : index
    tpu.barrier barrier_id(%barrier3A_16)
    "tpu.region"() ({
      %run_scoped3A = tpu.sem_alloc : memref<!tpu.dma_semaphore, #tpu.memory_space<semaphore_mem>>
      %dma_start3A_17 = arith.constant 0 : i32
      %dma_start3A_18 = tpu.memref_slice %arg6[%arg0, %mul3A_2, %dma_start3A_17] : memref<2x10240x128xf32, #tpu.memory_space<hbm>> -> memref<1x640x128xf32, #tpu.memory_space<hbm>>
      %dma_start3A_19 = tpu.memref_squeeze %dma_start3A_18 : memref<1x640x128xf32, #tpu.memory_space<hbm>> -> memref<640x128xf32, #tpu.memory_space<hbm>>
      %dma_start3A_20 = arith.constant 0 : i32
      %dma_start3A_21 = tpu.memref_slice %arg13[%mul3A_2, %dma_start3A_20] : memref<10240x128xf32, #tpu.memory_space<vmem_shared>> -> memref<640x128xf32, #tpu.memory_space<vmem_shared>>
      tpu.enqueue_dma source(%dma_start3A_21 : memref<640x128xf32, #tpu.memory_space<vmem_shared>>) target(%dma_start3A_19 : memref<640x128xf32, #tpu.memory_space<hbm>>) target_semaphore(%run_scoped3A : memref<!tpu.dma_semaphore, #tpu.memory_space<semaphore_mem>>)
      %dma_wait3A_22 = arith.constant 0 : i32
      %dma_wait3A_23 = tpu.memref_slice %arg6[%arg0, %mul3A_2, %dma_wait3A_22] : memref<2x10240x128xf32, #tpu.memory_space<hbm>> -> memref<1x640x128xf32, #tpu.memory_space<hbm>>
      %dma_wait3A_24 = tpu.memref_squeeze %dma_wait3A_23 : memref<1x640x128xf32, #tpu.memory_space<hbm>> -> memref<640x128xf32, #tpu.memory_space<hbm>>
      %dma_wait3A_25 = arith.constant 0 : i32
      %dma_wait3A_26 = tpu.memref_slice %arg13[%mul3A_2, %dma_wait3A_25] : memref<10240x128xf32, #tpu.memory_space<vmem_shared>> -> memref<640x128xf32, #tpu.memory_space<vmem_shared>>
      tpu.wait_dma2 semaphore(%run_scoped3A : memref<!tpu.dma_semaphore, #tpu.memory_space<semaphore_mem>>) src(%dma_wait3A_26 : memref<640x128xf32, #tpu.memory_space<vmem_shared>>) dst(%dma_wait3A_24 : memref<640x128xf32, #tpu.memory_space<hbm>>)
      tpu.yield
    }) : () -> ()
    return
  }
}

#map = affine_map<(d0, d1) -> (0, 0)>
#map1 = affine_map<(d0, d1) -> (0)>
#map2 = affine_map<(d0, d1) -> (0, 0, 0)>
module attributes {stable_mosaic.version = 14 : i64} {
  func.func @_sc_segment_sum(%arg0: i32, %arg1: i32, %arg2: memref<10000x128xf32, #tpu.memory_space<hbm>>, %arg3: memref<320000xi32, #tpu.memory_space<hbm>>, %arg4: memref<320000xi32, #tpu.memory_space<hbm>>, %arg5: memref<640x128xf32, #tpu.memory_space<hbm>>, %arg6: memref<2x10240x128xf32, #tpu.memory_space<hbm>>, %arg7: memref<128xi32, #tpu.memory_space<vmem>>, %arg8: memref<128xi32, #tpu.memory_space<vmem>>, %arg9: memref<128x128xf32, #tpu.memory_space<vmem>>, %arg10: memref<16xi32, #tpu.memory_space<vmem>>, %arg11: memref<16xi32, #tpu.memory_space<vmem>>, %arg12: memref<16x128xf32, #tpu.memory_space<vmem>>, %arg13: memref<10240x128xf32, #tpu.memory_space<vmem_shared>>, %arg14: memref<!tpu.dma_semaphore, #tpu.memory_space<semaphore_mem>>) attributes {dimension_semantics = [#tpu.dimension_semantics<core_parallel>, #tpu.dimension_semantics<subcore_parallel>], iteration_bounds = array<i64: 2, 16>, scalar_prefetch = 0 : i64, scratch_operands = 8 : i64, tpu.core_type = #tpu.core_type<sc_vector_subcore>, window_params = [{transform_indices = #map}, {transform_indices = #map1}, {transform_indices = #map1}, {transform_indices = #map}, {transform_indices = #map2}]} {
    %mul3A = arith.constant 2 : i32
    %mul3A_0 = arith.muli %arg1, %mul3A : i32
    %add3A = arith.addi %mul3A_0, %arg0 : i32
    %mul3A_1 = arith.constant 640 : i32
    %mul3A_2 = arith.muli %arg1, %mul3A_1 : i32
    "tpu.region"() ({
      %run_scoped3A = tpu.sem_alloc : memref<!tpu.dma_semaphore, #tpu.memory_space<semaphore_mem>>
      %dma_start3A_17 = arith.constant 0 : i32
      %dma_start3A_18 = tpu.memref_slice %arg13[%mul3A_2, %dma_start3A_17] : memref<10240x128xf32, #tpu.memory_space<vmem_shared>> -> memref<640x128xf32, #tpu.memory_space<vmem_shared>>
      tpu.enqueue_dma source(%arg5 : memref<640x128xf32, #tpu.memory_space<hbm>>) target(%dma_start3A_18 : memref<640x128xf32, #tpu.memory_space<vmem_shared>>) target_semaphore(%run_scoped3A : memref<!tpu.dma_semaphore, #tpu.memory_space<semaphore_mem>>)
      %dma_wait3A_19 = arith.constant 0 : i32
      %dma_wait3A_20 = tpu.memref_slice %arg13[%mul3A_2, %dma_wait3A_19] : memref<10240x128xf32, #tpu.memory_space<vmem_shared>> -> memref<640x128xf32, #tpu.memory_space<vmem_shared>>
      tpu.wait_dma2 semaphore(%run_scoped3A : memref<!tpu.dma_semaphore, #tpu.memory_space<semaphore_mem>>) src(%arg5 : memref<640x128xf32, #tpu.memory_space<hbm>>) dst(%dma_wait3A_20 : memref<640x128xf32, #tpu.memory_space<vmem_shared>>)
      tpu.yield
    }) : () -> ()
    %barrier3A = arith.constant 0 : index
    tpu.barrier barrier_id(%barrier3A)
    %mul3A_3 = arith.constant 10000 : i32
    %mul3A_4 = arith.muli %add3A, %mul3A_3 : i32
    %scan3A = arith.constant 0 : i32
    %scan3A_5 = arith.constant 0 : i32
    %scan3A_6 = arith.constant 78 : i32
    %scan3A_7 = arith.addi %scan3A_5, %scan3A_6 : i32
    %scan3A_8 = arith.constant 1 : i32
    scf.for %scan3A_17 = %scan3A_5 to %scan3A_7 step %scan3A_8  : i32 {
      %mul3A_18 = arith.constant 128 : i32
      %mul3A_19 = arith.muli %scan3A_17, %mul3A_18 : i32
      %add3A_20 = arith.addi %mul3A_4, %mul3A_19 : i32
      "tpu.region"() ({
        %run_scoped3A = tpu.sem_alloc : memref<!tpu.dma_semaphore, #tpu.memory_space<semaphore_mem>>
        %dma_start3A_27 = tpu.memref_slice %arg3[%add3A_20] : memref<320000xi32, #tpu.memory_space<hbm>> -> memref<128xi32, #tpu.memory_space<hbm>>
        %dma_start3A_28 = tpu.memref_slice %arg3[%add3A_20] : memref<320000xi32, #tpu.memory_space<hbm>> -> memref<128xi32, #tpu.memory_space<hbm>>
        tpu.enqueue_dma source(%dma_start3A_28 : memref<128xi32, #tpu.memory_space<hbm>>) target(%arg7 : memref<128xi32, #tpu.memory_space<vmem>>) target_semaphore(%run_scoped3A : memref<!tpu.dma_semaphore, #tpu.memory_space<semaphore_mem>>)
        %dma_wait3A_29 = tpu.memref_slice %arg3[%add3A_20] : memref<320000xi32, #tpu.memory_space<hbm>> -> memref<128xi32, #tpu.memory_space<hbm>>
        %dma_wait3A_30 = tpu.memref_slice %arg3[%add3A_20] : memref<320000xi32, #tpu.memory_space<hbm>> -> memref<128xi32, #tpu.memory_space<hbm>>
        tpu.wait_dma2 semaphore(%run_scoped3A : memref<!tpu.dma_semaphore, #tpu.memory_space<semaphore_mem>>) src(%dma_wait3A_30 : memref<128xi32, #tpu.memory_space<hbm>>) dst(%arg7 : memref<128xi32, #tpu.memory_space<vmem>>)
        tpu.yield
      }) : () -> ()
      "tpu.region"() ({
        %run_scoped3A = tpu.sem_alloc : memref<!tpu.dma_semaphore, #tpu.memory_space<semaphore_mem>>
        %dma_start3A_27 = tpu.memref_slice %arg4[%add3A_20] : memref<320000xi32, #tpu.memory_space<hbm>> -> memref<128xi32, #tpu.memory_space<hbm>>
        %dma_start3A_28 = tpu.memref_slice %arg4[%add3A_20] : memref<320000xi32, #tpu.memory_space<hbm>> -> memref<128xi32, #tpu.memory_space<hbm>>
        tpu.enqueue_dma source(%dma_start3A_28 : memref<128xi32, #tpu.memory_space<hbm>>) target(%arg8 : memref<128xi32, #tpu.memory_space<vmem>>) target_semaphore(%run_scoped3A : memref<!tpu.dma_semaphore, #tpu.memory_space<semaphore_mem>>)
        %dma_wait3A_29 = tpu.memref_slice %arg4[%add3A_20] : memref<320000xi32, #tpu.memory_space<hbm>> -> memref<128xi32, #tpu.memory_space<hbm>>
        %dma_wait3A_30 = tpu.memref_slice %arg4[%add3A_20] : memref<320000xi32, #tpu.memory_space<hbm>> -> memref<128xi32, #tpu.memory_space<hbm>>
        tpu.wait_dma2 semaphore(%run_scoped3A : memref<!tpu.dma_semaphore, #tpu.memory_space<semaphore_mem>>) src(%dma_wait3A_30 : memref<128xi32, #tpu.memory_space<hbm>>) dst(%arg8 : memref<128xi32, #tpu.memory_space<vmem>>)
        tpu.yield
      }) : () -> ()
      %dma_start3A_21 = arith.constant 0 : i32
      %dma_start3A_22 = arith.constant 0 : i32
      %dma_start3A_23 = tpu.memref_slice %arg2[%dma_start3A_21, %dma_start3A_22] : memref<10000x128xf32, #tpu.memory_space<hbm>> -> memref<10000x128xf32, #tpu.memory_space<hbm>>
      tpu.enqueue_indirect_dma source(%dma_start3A_23 : memref<10000x128xf32, #tpu.memory_space<hbm>>) target(%arg9 : memref<128x128xf32, #tpu.memory_space<vmem>>) offsets(%arg7 : memref<128xi32, #tpu.memory_space<vmem>>) semaphore(%arg14 : memref<!tpu.dma_semaphore, #tpu.memory_space<semaphore_mem>>)
      %dma_wait3A_24 = arith.constant 0 : i32
      %dma_wait3A_25 = arith.constant 0 : i32
      %dma_wait3A_26 = tpu.memref_slice %arg2[%dma_wait3A_24, %dma_wait3A_25] : memref<10000x128xf32, #tpu.memory_space<hbm>> -> memref<10000x128xf32, #tpu.memory_space<hbm>>
      tpu.wait_indirect_dma semaphore(%arg14 : memref<!tpu.dma_semaphore, #tpu.memory_space<semaphore_mem>>) src(%dma_wait3A_26 : memref<10000x128xf32, #tpu.memory_space<hbm>>) dst(%arg9 : memref<128x128xf32, #tpu.memory_space<vmem>>)
      "tpu.region"() ({
        %run_scoped3A = tpu.sem_alloc : memref<!tpu.dma_semaphore, #tpu.memory_space<semaphore_mem>>
        %dma_start3A_27 = arith.constant 0 : i32
        %dma_start3A_28 = arith.constant 0 : i32
        %dma_start3A_29 = tpu.memref_slice %arg13[%dma_start3A_27, %dma_start3A_28] : memref<10240x128xf32, #tpu.memory_space<vmem_shared>> -> memref<10240x128xf32, #tpu.memory_space<vmem_shared>>
        tpu.enqueue_indirect_dma source(%arg9 : memref<128x128xf32, #tpu.memory_space<vmem>>) target(%dma_start3A_29 : memref<10240x128xf32, #tpu.memory_space<vmem_shared>>) offsets(%arg8 : memref<128xi32, #tpu.memory_space<vmem>>) semaphore(%run_scoped3A : memref<!tpu.dma_semaphore, #tpu.memory_space<semaphore_mem>>) {add = true}
        %dma_wait3A_30 = arith.constant 0 : i32
        %dma_wait3A_31 = arith.constant 0 : i32
        %dma_wait3A_32 = tpu.memref_slice %arg13[%dma_wait3A_30, %dma_wait3A_31] : memref<10240x128xf32, #tpu.memory_space<vmem_shared>> -> memref<10240x128xf32, #tpu.memory_space<vmem_shared>>
        tpu.wait_indirect_dma semaphore(%run_scoped3A : memref<!tpu.dma_semaphore, #tpu.memory_space<semaphore_mem>>) src(%arg9 : memref<128x128xf32, #tpu.memory_space<vmem>>) dst(%dma_wait3A_32 : memref<10240x128xf32, #tpu.memory_space<vmem_shared>>)
        tpu.yield
      }) : () -> ()
    }
    %scan3A_9 = arith.constant 78 : i32
    %add3A_10 = arith.constant 9984 : i32
    %add3A_11 = arith.addi %mul3A_4, %add3A_10 : i32
    "tpu.region"() ({
      %run_scoped3A = tpu.sem_alloc : memref<!tpu.dma_semaphore, #tpu.memory_space<semaphore_mem>>
      %dma_start3A_17 = tpu.memref_slice %arg3[%add3A_11] : memref<320000xi32, #tpu.memory_space<hbm>> -> memref<16xi32, #tpu.memory_space<hbm>>
      %dma_start3A_18 = tpu.memref_slice %arg3[%add3A_11] : memref<320000xi32, #tpu.memory_space<hbm>> -> memref<16xi32, #tpu.memory_space<hbm>>
      tpu.enqueue_dma source(%dma_start3A_18 : memref<16xi32, #tpu.memory_space<hbm>>) target(%arg10 : memref<16xi32, #tpu.memory_space<vmem>>) target_semaphore(%run_scoped3A : memref<!tpu.dma_semaphore, #tpu.memory_space<semaphore_mem>>)
      %dma_wait3A_19 = tpu.memref_slice %arg3[%add3A_11] : memref<320000xi32, #tpu.memory_space<hbm>> -> memref<16xi32, #tpu.memory_space<hbm>>
      %dma_wait3A_20 = tpu.memref_slice %arg3[%add3A_11] : memref<320000xi32, #tpu.memory_space<hbm>> -> memref<16xi32, #tpu.memory_space<hbm>>
      tpu.wait_dma2 semaphore(%run_scoped3A : memref<!tpu.dma_semaphore, #tpu.memory_space<semaphore_mem>>) src(%dma_wait3A_20 : memref<16xi32, #tpu.memory_space<hbm>>) dst(%arg10 : memref<16xi32, #tpu.memory_space<vmem>>)
      tpu.yield
    }) : () -> ()
    "tpu.region"() ({
      %run_scoped3A = tpu.sem_alloc : memref<!tpu.dma_semaphore, #tpu.memory_space<semaphore_mem>>
      %dma_start3A_17 = tpu.memref_slice %arg4[%add3A_11] : memref<320000xi32, #tpu.memory_space<hbm>> -> memref<16xi32, #tpu.memory_space<hbm>>
      %dma_start3A_18 = tpu.memref_slice %arg4[%add3A_11] : memref<320000xi32, #tpu.memory_space<hbm>> -> memref<16xi32, #tpu.memory_space<hbm>>
      tpu.enqueue_dma source(%dma_start3A_18 : memref<16xi32, #tpu.memory_space<hbm>>) target(%arg11 : memref<16xi32, #tpu.memory_space<vmem>>) target_semaphore(%run_scoped3A : memref<!tpu.dma_semaphore, #tpu.memory_space<semaphore_mem>>)
      %dma_wait3A_19 = tpu.memref_slice %arg4[%add3A_11] : memref<320000xi32, #tpu.memory_space<hbm>> -> memref<16xi32, #tpu.memory_space<hbm>>
      %dma_wait3A_20 = tpu.memref_slice %arg4[%add3A_11] : memref<320000xi32, #tpu.memory_space<hbm>> -> memref<16xi32, #tpu.memory_space<hbm>>
      tpu.wait_dma2 semaphore(%run_scoped3A : memref<!tpu.dma_semaphore, #tpu.memory_space<semaphore_mem>>) src(%dma_wait3A_20 : memref<16xi32, #tpu.memory_space<hbm>>) dst(%arg11 : memref<16xi32, #tpu.memory_space<vmem>>)
      tpu.yield
    }) : () -> ()
    %dma_start3A = arith.constant 0 : i32
    %dma_start3A_12 = arith.constant 0 : i32
    %dma_start3A_13 = tpu.memref_slice %arg2[%dma_start3A, %dma_start3A_12] : memref<10000x128xf32, #tpu.memory_space<hbm>> -> memref<10000x128xf32, #tpu.memory_space<hbm>>
    tpu.enqueue_indirect_dma source(%dma_start3A_13 : memref<10000x128xf32, #tpu.memory_space<hbm>>) target(%arg12 : memref<16x128xf32, #tpu.memory_space<vmem>>) offsets(%arg10 : memref<16xi32, #tpu.memory_space<vmem>>) semaphore(%arg14 : memref<!tpu.dma_semaphore, #tpu.memory_space<semaphore_mem>>)
    %dma_wait3A = arith.constant 0 : i32
    %dma_wait3A_14 = arith.constant 0 : i32
    %dma_wait3A_15 = tpu.memref_slice %arg2[%dma_wait3A, %dma_wait3A_14] : memref<10000x128xf32, #tpu.memory_space<hbm>> -> memref<10000x128xf32, #tpu.memory_space<hbm>>
    tpu.wait_indirect_dma semaphore(%arg14 : memref<!tpu.dma_semaphore, #tpu.memory_space<semaphore_mem>>) src(%dma_wait3A_15 : memref<10000x128xf32, #tpu.memory_space<hbm>>) dst(%arg12 : memref<16x128xf32, #tpu.memory_space<vmem>>)
    "tpu.region"() ({
      %run_scoped3A = tpu.sem_alloc : memref<!tpu.dma_semaphore, #tpu.memory_space<semaphore_mem>>
      %dma_start3A_17 = arith.constant 0 : i32
      %dma_start3A_18 = arith.constant 0 : i32
      %dma_start3A_19 = tpu.memref_slice %arg13[%dma_start3A_17, %dma_start3A_18] : memref<10240x128xf32, #tpu.memory_space<vmem_shared>> -> memref<10240x128xf32, #tpu.memory_space<vmem_shared>>
      tpu.enqueue_indirect_dma source(%arg12 : memref<16x128xf32, #tpu.memory_space<vmem>>) target(%dma_start3A_19 : memref<10240x128xf32, #tpu.memory_space<vmem_shared>>) offsets(%arg11 : memref<16xi32, #tpu.memory_space<vmem>>) semaphore(%run_scoped3A : memref<!tpu.dma_semaphore, #tpu.memory_space<semaphore_mem>>) {add = true}
      %dma_wait3A_20 = arith.constant 0 : i32
      %dma_wait3A_21 = arith.constant 0 : i32
      %dma_wait3A_22 = tpu.memref_slice %arg13[%dma_wait3A_20, %dma_wait3A_21] : memref<10240x128xf32, #tpu.memory_space<vmem_shared>> -> memref<10240x128xf32, #tpu.memory_space<vmem_shared>>
      tpu.wait_indirect_dma semaphore(%run_scoped3A : memref<!tpu.dma_semaphore, #tpu.memory_space<semaphore_mem>>) src(%arg12 : memref<16x128xf32, #tpu.memory_space<vmem>>) dst(%dma_wait3A_22 : memref<10240x128xf32, #tpu.memory_space<vmem_shared>>)
      tpu.yield
    }) : () -> ()
    %barrier3A_16 = arith.constant 0 : index
    tpu.barrier barrier_id(%barrier3A_16)
    "tpu.region"() ({
      %run_scoped3A = tpu.sem_alloc : memref<!tpu.dma_semaphore, #tpu.memory_space<semaphore_mem>>
      %dma_start3A_17 = arith.constant 0 : i32
      %dma_start3A_18 = tpu.memref_slice %arg6[%arg0, %mul3A_2, %dma_start3A_17] : memref<2x10240x128xf32, #tpu.memory_space<hbm>> -> memref<1x640x128xf32, #tpu.memory_space<hbm>>
      %dma_start3A_19 = tpu.memref_squeeze %dma_start3A_18 : memref<1x640x128xf32, #tpu.memory_space<hbm>> -> memref<640x128xf32, #tpu.memory_space<hbm>>
      %dma_start3A_20 = arith.constant 0 : i32
      %dma_start3A_21 = tpu.memref_slice %arg13[%mul3A_2, %dma_start3A_20] : memref<10240x128xf32, #tpu.memory_space<vmem_shared>> -> memref<640x128xf32, #tpu.memory_space<vmem_shared>>
      tpu.enqueue_dma source(%dma_start3A_21 : memref<640x128xf32, #tpu.memory_space<vmem_shared>>) target(%dma_start3A_19 : memref<640x128xf32, #tpu.memory_space<hbm>>) target_semaphore(%run_scoped3A : memref<!tpu.dma_semaphore, #tpu.memory_space<semaphore_mem>>)
      %dma_wait3A_22 = arith.constant 0 : i32
      %dma_wait3A_23 = tpu.memref_slice %arg6[%arg0, %mul3A_2, %dma_wait3A_22] : memref<2x10240x128xf32, #tpu.memory_space<hbm>> -> memref<1x640x128xf32, #tpu.memory_space<hbm>>
      %dma_wait3A_24 = tpu.memref_squeeze %dma_wait3A_23 : memref<1x640x128xf32, #tpu.memory_space<hbm>> -> memref<640x128xf32, #tpu.memory_space<hbm>>
      %dma_wait3A_25 = arith.constant 0 : i32
      %dma_wait3A_26 = tpu.memref_slice %arg13[%mul3A_2, %dma_wait3A_25] : memref<10240x128xf32, #tpu.memory_space<vmem_shared>> -> memref<640x128xf32, #tpu.memory_space<vmem_shared>>
      tpu.wait_dma2 semaphore(%run_scoped3A : memref<!tpu.dma_semaphore, #tpu.memory_space<semaphore_mem>>) src(%dma_wait3A_26 : memref<640x128xf32, #tpu.memory_space<vmem_shared>>) dst(%dma_wait3A_24 : memref<640x128xf32, #tpu.memory_space<hbm>>)
      tpu.yield
    }) : () -> ()
    return
  }
}

#map = affine_map<(d0, d1) -> (0, 0)>
#map1 = affine_map<(d0, d1) -> (0)>
module attributes {stable_mosaic.version = 14 : i64} {
  func.func @_sc_head(%arg0: i32, %arg1: i32, %arg2: memref<10000x64xf32, #tpu.memory_space<hbm>>, %arg3: memref<10000x64xf32, #tpu.memory_space<hbm>>, %arg4: memref<320000xi32, #tpu.memory_space<hbm>>, %arg5: memref<320000xi32, #tpu.memory_space<hbm>>, %arg6: memref<320000x64xf32, #tpu.memory_space<hbm>>, %arg7: memref<128xi32, #tpu.memory_space<vmem>>, %arg8: memref<128xi32, #tpu.memory_space<vmem>>, %arg9: memref<128x64xf32, #tpu.memory_space<vmem>>, %arg10: memref<128x64xf32, #tpu.memory_space<vmem>>, %arg11: memref<16xi32, #tpu.memory_space<vmem>>, %arg12: memref<16xi32, #tpu.memory_space<vmem>>, %arg13: memref<16x64xf32, #tpu.memory_space<vmem>>, %arg14: memref<16x64xf32, #tpu.memory_space<vmem>>, %arg15: memref<!tpu.dma_semaphore, #tpu.memory_space<semaphore_mem>>) attributes {dimension_semantics = [#tpu.dimension_semantics<core_parallel>, #tpu.dimension_semantics<subcore_parallel>], iteration_bounds = array<i64: 2, 16>, scalar_prefetch = 0 : i64, scratch_operands = 9 : i64, tpu.core_type = #tpu.core_type<sc_vector_subcore>, window_params = [{transform_indices = #map}, {transform_indices = #map}, {transform_indices = #map1}, {transform_indices = #map1}, {transform_indices = #map}]} {
    %mul3A = arith.constant 2 : i32
    %mul3A_0 = arith.muli %arg1, %mul3A : i32
    %add3A = arith.addi %mul3A_0, %arg0 : i32
    %mul3A_1 = arith.constant 10000 : i32
    %mul3A_2 = arith.muli %add3A, %mul3A_1 : i32
    %scan3A = arith.constant 0 : i32
    %scan3A_3 = arith.constant 0 : i32
    %scan3A_4 = arith.constant 78 : i32
    %scan3A_5 = arith.addi %scan3A_3, %scan3A_4 : i32
    %scan3A_6 = arith.constant 1 : i32
    scf.for %scan3A_26 = %scan3A_3 to %scan3A_5 step %scan3A_6  : i32 {
      %mul3A_27 = arith.constant 128 : i32
      %mul3A_28 = arith.muli %scan3A_26, %mul3A_27 : i32
      %add3A_29 = arith.addi %mul3A_2, %mul3A_28 : i32
      "tpu.region"() ({
        %run_scoped3A = tpu.sem_alloc : memref<!tpu.dma_semaphore, #tpu.memory_space<semaphore_mem>>
        %dma_start3A_48 = tpu.memref_slice %arg4[%add3A_29] : memref<320000xi32, #tpu.memory_space<hbm>> -> memref<128xi32, #tpu.memory_space<hbm>>
        %dma_start3A_49 = tpu.memref_slice %arg4[%add3A_29] : memref<320000xi32, #tpu.memory_space<hbm>> -> memref<128xi32, #tpu.memory_space<hbm>>
        tpu.enqueue_dma source(%dma_start3A_49 : memref<128xi32, #tpu.memory_space<hbm>>) target(%arg7 : memref<128xi32, #tpu.memory_space<vmem>>) target_semaphore(%run_scoped3A : memref<!tpu.dma_semaphore, #tpu.memory_space<semaphore_mem>>)
        %dma_wait3A_50 = tpu.memref_slice %arg4[%add3A_29] : memref<320000xi32, #tpu.memory_space<hbm>> -> memref<128xi32, #tpu.memory_space<hbm>>
        %dma_wait3A_51 = tpu.memref_slice %arg4[%add3A_29] : memref<320000xi32, #tpu.memory_space<hbm>> -> memref<128xi32, #tpu.memory_space<hbm>>
        tpu.wait_dma2 semaphore(%run_scoped3A : memref<!tpu.dma_semaphore, #tpu.memory_space<semaphore_mem>>) src(%dma_wait3A_51 : memref<128xi32, #tpu.memory_space<hbm>>) dst(%arg7 : memref<128xi32, #tpu.memory_space<vmem>>)
        tpu.yield
      }) : () -> ()
      "tpu.region"() ({
        %run_scoped3A = tpu.sem_alloc : memref<!tpu.dma_semaphore, #tpu.memory_space<semaphore_mem>>
        %dma_start3A_48 = tpu.memref_slice %arg5[%add3A_29] : memref<320000xi32, #tpu.memory_space<hbm>> -> memref<128xi32, #tpu.memory_space<hbm>>
        %dma_start3A_49 = tpu.memref_slice %arg5[%add3A_29] : memref<320000xi32, #tpu.memory_space<hbm>> -> memref<128xi32, #tpu.memory_space<hbm>>
        tpu.enqueue_dma source(%dma_start3A_49 : memref<128xi32, #tpu.memory_space<hbm>>) target(%arg8 : memref<128xi32, #tpu.memory_space<vmem>>) target_semaphore(%run_scoped3A : memref<!tpu.dma_semaphore, #tpu.memory_space<semaphore_mem>>)
        %dma_wait3A_50 = tpu.memref_slice %arg5[%add3A_29] : memref<320000xi32, #tpu.memory_space<hbm>> -> memref<128xi32, #tpu.memory_space<hbm>>
        %dma_wait3A_51 = tpu.memref_slice %arg5[%add3A_29] : memref<320000xi32, #tpu.memory_space<hbm>> -> memref<128xi32, #tpu.memory_space<hbm>>
        tpu.wait_dma2 semaphore(%run_scoped3A : memref<!tpu.dma_semaphore, #tpu.memory_space<semaphore_mem>>) src(%dma_wait3A_51 : memref<128xi32, #tpu.memory_space<hbm>>) dst(%arg8 : memref<128xi32, #tpu.memory_space<vmem>>)
        tpu.yield
      }) : () -> ()
      %dma_start3A_30 = arith.constant 0 : i32
      %dma_start3A_31 = arith.constant 0 : i32
      %dma_start3A_32 = tpu.memref_slice %arg2[%dma_start3A_30, %dma_start3A_31] : memref<10000x64xf32, #tpu.memory_space<hbm>> -> memref<10000x64xf32, #tpu.memory_space<hbm>>
      tpu.enqueue_indirect_dma source(%dma_start3A_32 : memref<10000x64xf32, #tpu.memory_space<hbm>>) target(%arg9 : memref<128x64xf32, #tpu.memory_space<vmem>>) offsets(%arg7 : memref<128xi32, #tpu.memory_space<vmem>>) semaphore(%arg15 : memref<!tpu.dma_semaphore, #tpu.memory_space<semaphore_mem>>)
      %dma_wait3A_33 = arith.constant 0 : i32
      %dma_wait3A_34 = arith.constant 0 : i32
      %dma_wait3A_35 = tpu.memref_slice %arg2[%dma_wait3A_33, %dma_wait3A_34] : memref<10000x64xf32, #tpu.memory_space<hbm>> -> memref<10000x64xf32, #tpu.memory_space<hbm>>
      tpu.wait_indirect_dma semaphore(%arg15 : memref<!tpu.dma_semaphore, #tpu.memory_space<semaphore_mem>>) src(%dma_wait3A_35 : memref<10000x64xf32, #tpu.memory_space<hbm>>) dst(%arg9 : memref<128x64xf32, #tpu.memory_space<vmem>>)
      %dma_start3A_36 = arith.constant 0 : i32
      %dma_start3A_37 = arith.constant 0 : i32
      %dma_start3A_38 = tpu.memref_slice %arg3[%dma_start3A_36, %dma_start3A_37] : memref<10000x64xf32, #tpu.memory_space<hbm>> -> memref<10000x64xf32, #tpu.memory_space<hbm>>
      tpu.enqueue_indirect_dma source(%dma_start3A_38 : memref<10000x64xf32, #tpu.memory_space<hbm>>) target(%arg10 : memref<128x64xf32, #tpu.memory_space<vmem>>) offsets(%arg8 : memref<128xi32, #tpu.memory_space<vmem>>) semaphore(%arg15 : memref<!tpu.dma_semaphore, #tpu.memory_space<semaphore_mem>>)
      %dma_wait3A_39 = arith.constant 0 : i32
      %dma_wait3A_40 = arith.constant 0 : i32
      %dma_wait3A_41 = tpu.memref_slice %arg3[%dma_wait3A_39, %dma_wait3A_40] : memref<10000x64xf32, #tpu.memory_space<hbm>> -> memref<10000x64xf32, #tpu.memory_space<hbm>>
      tpu.wait_indirect_dma semaphore(%arg15 : memref<!tpu.dma_semaphore, #tpu.memory_space<semaphore_mem>>) src(%dma_wait3A_41 : memref<10000x64xf32, #tpu.memory_space<hbm>>) dst(%arg10 : memref<128x64xf32, #tpu.memory_space<vmem>>)
      %scan3A_42 = arith.constant 0 : i32
      %scan3A_43 = arith.constant 0 : i32
      %scan3A_44 = arith.constant 128 : i32
      %scan3A_45 = arith.addi %scan3A_43, %scan3A_44 : i32
      %scan3A_46 = arith.constant 1 : i32
      scf.for %scan3A_48 = %scan3A_43 to %scan3A_45 step %scan3A_46  : i32 {
        %get3A = arith.index_cast %scan3A_48 : i32 to index
        %get3A_49 = arith.constant 0 : index
        %get3A_50 = tpu.vector_load %arg9[%get3A, %get3A_49] {strides = array<i32>} : memref<128x64xf32, #tpu.memory_space<vmem>>, vector<1x16xf32>,
        %get3A_51 = vector.shape_cast %get3A_50 : vector<1x16xf32> to vector<16xf32>
        %get3A_52 = arith.index_cast %scan3A_48 : i32 to index
        %get3A_53 = arith.constant 0 : index
        %get3A_54 = tpu.vector_load %arg10[%get3A_52, %get3A_53] {strides = array<i32>} : memref<128x64xf32, #tpu.memory_space<vmem>>, vector<1x16xf32>,
        %get3A_55 = vector.shape_cast %get3A_54 : vector<1x16xf32> to vector<16xf32>
        %add3A_56 = arith.addf %get3A_51, %get3A_55 : vector<16xf32>
        %swap3A = arith.index_cast %scan3A_48 : i32 to index
        %swap3A_57 = arith.constant 0 : index
        %swap3A_58 = tpu.vector_load %arg9[%swap3A, %swap3A_57] {strides = array<i32>} : memref<128x64xf32, #tpu.memory_space<vmem>>, vector<1x16xf32>,
        %swap3A_59 = vector.shape_cast %swap3A_58 : vector<1x16xf32> to vector<16xf32>
        %swap3A_60 = vector.shape_cast %add3A_56 : vector<16xf32> to vector<1x16xf32>
        tpu.vector_store %arg9[%swap3A, %swap3A_57], %swap3A_60 {strides = array<i32>} : memref<128x64xf32, #tpu.memory_space<vmem>>, vector<1x16xf32>,
        %get3A_61 = arith.index_cast %scan3A_48 : i32 to index
        %get3A_62 = arith.constant 16 : index
        %get3A_63 = tpu.vector_load %arg9[%get3A_61, %get3A_62] {strides = array<i32>} : memref<128x64xf32, #tpu.memory_space<vmem>>, vector<1x16xf32>,
        %get3A_64 = vector.shape_cast %get3A_63 : vector<1x16xf32> to vector<16xf32>
        %get3A_65 = arith.index_cast %scan3A_48 : i32 to index
        %get3A_66 = arith.constant 16 : index
        %get3A_67 = tpu.vector_load %arg10[%get3A_65, %get3A_66] {strides = array<i32>} : memref<128x64xf32, #tpu.memory_space<vmem>>, vector<1x16xf32>,
        %get3A_68 = vector.shape_cast %get3A_67 : vector<1x16xf32> to vector<16xf32>
        %add3A_69 = arith.addf %get3A_64, %get3A_68 : vector<16xf32>
        %swap3A_70 = arith.index_cast %scan3A_48 : i32 to index
        %swap3A_71 = arith.constant 16 : index
        %swap3A_72 = tpu.vector_load %arg9[%swap3A_70, %swap3A_71] {strides = array<i32>} : memref<128x64xf32, #tpu.memory_space<vmem>>, vector<1x16xf32>,
        %swap3A_73 = vector.shape_cast %swap3A_72 : vector<1x16xf32> to vector<16xf32>
        %swap3A_74 = vector.shape_cast %add3A_69 : vector<16xf32> to vector<1x16xf32>
        tpu.vector_store %arg9[%swap3A_70, %swap3A_71], %swap3A_74 {strides = array<i32>} : memref<128x64xf32, #tpu.memory_space<vmem>>, vector<1x16xf32>,
        %get3A_75 = arith.index_cast %scan3A_48 : i32 to index
        %get3A_76 = arith.constant 32 : index
        %get3A_77 = tpu.vector_load %arg9[%get3A_75, %get3A_76] {strides = array<i32>} : memref<128x64xf32, #tpu.memory_space<vmem>>, vector<1x16xf32>,
        %get3A_78 = vector.shape_cast %get3A_77 : vector<1x16xf32> to vector<16xf32>
        %get3A_79 = arith.index_cast %scan3A_48 : i32 to index
        %get3A_80 = arith.constant 32 : index
        %get3A_81 = tpu.vector_load %arg10[%get3A_79, %get3A_80] {strides = array<i32>} : memref<128x64xf32, #tpu.memory_space<vmem>>, vector<1x16xf32>,
        %get3A_82 = vector.shape_cast %get3A_81 : vector<1x16xf32> to vector<16xf32>
        %add3A_83 = arith.addf %get3A_78, %get3A_82 : vector<16xf32>
        %swap3A_84 = arith.index_cast %scan3A_48 : i32 to index
        %swap3A_85 = arith.constant 32 : index
        %swap3A_86 = tpu.vector_load %arg9[%swap3A_84, %swap3A_85] {strides = array<i32>} : memref<128x64xf32, #tpu.memory_space<vmem>>, vector<1x16xf32>,
        %swap3A_87 = vector.shape_cast %swap3A_86 : vector<1x16xf32> to vector<16xf32>
        %swap3A_88 = vector.shape_cast %add3A_83 : vector<16xf32> to vector<1x16xf32>
        tpu.vector_store %arg9[%swap3A_84, %swap3A_85], %swap3A_88 {strides = array<i32>} : memref<128x64xf32, #tpu.memory_space<vmem>>, vector<1x16xf32>,
        %get3A_89 = arith.index_cast %scan3A_48 : i32 to index
        %get3A_90 = arith.constant 48 : index
        %get3A_91 = tpu.vector_load %arg9[%get3A_89, %get3A_90] {strides = array<i32>} : memref<128x64xf32, #tpu.memory_space<vmem>>, vector<1x16xf32>,
        %get3A_92 = vector.shape_cast %get3A_91 : vector<1x16xf32> to vector<16xf32>
        %get3A_93 = arith.index_cast %scan3A_48 : i32 to index
        %get3A_94 = arith.constant 48 : index
        %get3A_95 = tpu.vector_load %arg10[%get3A_93, %get3A_94] {strides = array<i32>} : memref<128x64xf32, #tpu.memory_space<vmem>>, vector<1x16xf32>,
        %get3A_96 = vector.shape_cast %get3A_95 : vector<1x16xf32> to vector<16xf32>
        %add3A_97 = arith.addf %get3A_92, %get3A_96 : vector<16xf32>
        %swap3A_98 = arith.index_cast %scan3A_48 : i32 to index
        %swap3A_99 = arith.constant 48 : index
        %swap3A_100 = tpu.vector_load %arg9[%swap3A_98, %swap3A_99] {strides = array<i32>} : memref<128x64xf32, #tpu.memory_space<vmem>>, vector<1x16xf32>,
        %swap3A_101 = vector.shape_cast %swap3A_100 : vector<1x16xf32> to vector<16xf32>
        %swap3A_102 = vector.shape_cast %add3A_97 : vector<16xf32> to vector<1x16xf32>
        tpu.vector_store %arg9[%swap3A_98, %swap3A_99], %swap3A_102 {strides = array<i32>} : memref<128x64xf32, #tpu.memory_space<vmem>>, vector<1x16xf32>,
      }
      %scan3A_47 = arith.constant 128 : i32
      "tpu.region"() ({
        %run_scoped3A = tpu.sem_alloc : memref<!tpu.dma_semaphore, #tpu.memory_space<semaphore_mem>>
        %dma_start3A_48 = arith.constant 0 : i32
        %dma_start3A_49 = tpu.memref_slice %arg6[%add3A_29, %dma_start3A_48] : memref<320000x64xf32, #tpu.memory_space<hbm>> -> memref<128x64xf32, #tpu.memory_space<hbm>>
        %dma_start3A_50 = arith.constant 0 : i32
        %dma_start3A_51 = tpu.memref_slice %arg6[%add3A_29, %dma_start3A_50] : memref<320000x64xf32, #tpu.memory_space<hbm>> -> memref<128x64xf32, #tpu.memory_space<hbm>>
        tpu.enqueue_dma source(%arg9 : memref<128x64xf32, #tpu.memory_space<vmem>>) target(%dma_start3A_51 : memref<128x64xf32, #tpu.memory_space<hbm>>) target_semaphore(%run_scoped3A : memref<!tpu.dma_semaphore, #tpu.memory_space<semaphore_mem>>)
        %dma_wait3A_52 = arith.constant 0 : i32
        %dma_wait3A_53 = tpu.memref_slice %arg6[%add3A_29, %dma_wait3A_52] : memref<320000x64xf32, #tpu.memory_space<hbm>> -> memref<128x64xf32, #tpu.memory_space<hbm>>
        %dma_wait3A_54 = arith.constant 0 : i32
        %dma_wait3A_55 = tpu.memref_slice %arg6[%add3A_29, %dma_wait3A_54] : memref<320000x64xf32, #tpu.memory_space<hbm>> -> memref<128x64xf32, #tpu.memory_space<hbm>>
        tpu.wait_dma2 semaphore(%run_scoped3A : memref<!tpu.dma_semaphore, #tpu.memory_space<semaphore_mem>>) src(%arg9 : memref<128x64xf32, #tpu.memory_space<vmem>>) dst(%dma_wait3A_55 : memref<128x64xf32, #tpu.memory_space<hbm>>)
        tpu.yield
      }) : () -> ()
    }
    %scan3A_7 = arith.constant 78 : i32
    %add3A_8 = arith.constant 9984 : i32
    %add3A_9 = arith.addi %mul3A_2, %add3A_8 : i32
    "tpu.region"() ({
      %run_scoped3A = tpu.sem_alloc : memref<!tpu.dma_semaphore, #tpu.memory_space<semaphore_mem>>
      %dma_start3A_26 = tpu.memref_slice %arg4[%add3A_9] : memref<320000xi32, #tpu.memory_space<hbm>> -> memref<16xi32, #tpu.memory_space<hbm>>
      %dma_start3A_27 = tpu.memref_slice %arg4[%add3A_9] : memref<320000xi32, #tpu.memory_space<hbm>> -> memref<16xi32, #tpu.memory_space<hbm>>
      tpu.enqueue_dma source(%dma_start3A_27 : memref<16xi32, #tpu.memory_space<hbm>>) target(%arg11 : memref<16xi32, #tpu.memory_space<vmem>>) target_semaphore(%run_scoped3A : memref<!tpu.dma_semaphore, #tpu.memory_space<semaphore_mem>>)
      %dma_wait3A_28 = tpu.memref_slice %arg4[%add3A_9] : memref<320000xi32, #tpu.memory_space<hbm>> -> memref<16xi32, #tpu.memory_space<hbm>>
      %dma_wait3A_29 = tpu.memref_slice %arg4[%add3A_9] : memref<320000xi32, #tpu.memory_space<hbm>> -> memref<16xi32, #tpu.memory_space<hbm>>
      tpu.wait_dma2 semaphore(%run_scoped3A : memref<!tpu.dma_semaphore, #tpu.memory_space<semaphore_mem>>) src(%dma_wait3A_29 : memref<16xi32, #tpu.memory_space<hbm>>) dst(%arg11 : memref<16xi32, #tpu.memory_space<vmem>>)
      tpu.yield
    }) : () -> ()
    "tpu.region"() ({
      %run_scoped3A = tpu.sem_alloc : memref<!tpu.dma_semaphore, #tpu.memory_space<semaphore_mem>>
      %dma_start3A_26 = tpu.memref_slice %arg5[%add3A_9] : memref<320000xi32, #tpu.memory_space<hbm>> -> memref<16xi32, #tpu.memory_space<hbm>>
      %dma_start3A_27 = tpu.memref_slice %arg5[%add3A_9] : memref<320000xi32, #tpu.memory_space<hbm>> -> memref<16xi32, #tpu.memory_space<hbm>>
      tpu.enqueue_dma source(%dma_start3A_27 : memref<16xi32, #tpu.memory_space<hbm>>) target(%arg12 : memref<16xi32, #tpu.memory_space<vmem>>) target_semaphore(%run_scoped3A : memref<!tpu.dma_semaphore, #tpu.memory_space<semaphore_mem>>)
      %dma_wait3A_28 = tpu.memref_slice %arg5[%add3A_9] : memref<320000xi32, #tpu.memory_space<hbm>> -> memref<16xi32, #tpu.memory_space<hbm>>
      %dma_wait3A_29 = tpu.memref_slice %arg5[%add3A_9] : memref<320000xi32, #tpu.memory_space<hbm>> -> memref<16xi32, #tpu.memory_space<hbm>>
      tpu.wait_dma2 semaphore(%run_scoped3A : memref<!tpu.dma_semaphore, #tpu.memory_space<semaphore_mem>>) src(%dma_wait3A_29 : memref<16xi32, #tpu.memory_space<hbm>>) dst(%arg12 : memref<16xi32, #tpu.memory_space<vmem>>)
      tpu.yield
    }) : () -> ()
    %dma_start3A = arith.constant 0 : i32
    %dma_start3A_10 = arith.constant 0 : i32
    %dma_start3A_11 = tpu.memref_slice %arg2[%dma_start3A, %dma_start3A_10] : memref<10000x64xf32, #tpu.memory_space<hbm>> -> memref<10000x64xf32, #tpu.memory_space<hbm>>
    tpu.enqueue_indirect_dma source(%dma_start3A_11 : memref<10000x64xf32, #tpu.memory_space<hbm>>) target(%arg13 : memref<16x64xf32, #tpu.memory_space<vmem>>) offsets(%arg11 : memref<16xi32, #tpu.memory_space<vmem>>) semaphore(%arg15 : memref<!tpu.dma_semaphore, #tpu.memory_space<semaphore_mem>>)
    %dma_wait3A = arith.constant 0 : i32
    %dma_wait3A_12 = arith.constant 0 : i32
    %dma_wait3A_13 = tpu.memref_slice %arg2[%dma_wait3A, %dma_wait3A_12] : memref<10000x64xf32, #tpu.memory_space<hbm>> -> memref<10000x64xf32, #tpu.memory_space<hbm>>
    tpu.wait_indirect_dma semaphore(%arg15 : memref<!tpu.dma_semaphore, #tpu.memory_space<semaphore_mem>>) src(%dma_wait3A_13 : memref<10000x64xf32, #tpu.memory_space<hbm>>) dst(%arg13 : memref<16x64xf32, #tpu.memory_space<vmem>>)
    %dma_start3A_14 = arith.constant 0 : i32
    %dma_start3A_15 = arith.constant 0 : i32
    %dma_start3A_16 = tpu.memref_slice %arg3[%dma_start3A_14, %dma_start3A_15] : memref<10000x64xf32, #tpu.memory_space<hbm>> -> memref<10000x64xf32, #tpu.memory_space<hbm>>
    tpu.enqueue_indirect_dma source(%dma_start3A_16 : memref<10000x64xf32, #tpu.memory_space<hbm>>) target(%arg14 : memref<16x64xf32, #tpu.memory_space<vmem>>) offsets(%arg12 : memref<16xi32, #tpu.memory_space<vmem>>) semaphore(%arg15 : memref<!tpu.dma_semaphore, #tpu.memory_space<semaphore_mem>>)
    %dma_wait3A_17 = arith.constant 0 : i32
    %dma_wait3A_18 = arith.constant 0 : i32
    %dma_wait3A_19 = tpu.memref_slice %arg3[%dma_wait3A_17, %dma_wait3A_18] : memref<10000x64xf32, #tpu.memory_space<hbm>> -> memref<10000x64xf32, #tpu.memory_space<hbm>>
    tpu.wait_indirect_dma semaphore(%arg15 : memref<!tpu.dma_semaphore, #tpu.memory_space<semaphore_mem>>) src(%dma_wait3A_19 : memref<10000x64xf32, #tpu.memory_space<hbm>>) dst(%arg14 : memref<16x64xf32, #tpu.memory_space<vmem>>)
    %scan3A_20 = arith.constant 0 : i32
    %scan3A_21 = arith.constant 0 : i32
    %scan3A_22 = arith.constant 16 : i32
    %scan3A_23 = arith.addi %scan3A_21, %scan3A_22 : i32
    %scan3A_24 = arith.constant 1 : i32
    scf.for %scan3A_26 = %scan3A_21 to %scan3A_23 step %scan3A_24  : i32 {
      %get3A = arith.index_cast %scan3A_26 : i32 to index
      %get3A_27 = arith.constant 0 : index
      %get3A_28 = tpu.vector_load %arg13[%get3A, %get3A_27] {strides = array<i32>} : memref<16x64xf32, #tpu.memory_space<vmem>>, vector<1x16xf32>,
      %get3A_29 = vector.shape_cast %get3A_28 : vector<1x16xf32> to vector<16xf32>
      %get3A_30 = arith.index_cast %scan3A_26 : i32 to index
      %get3A_31 = arith.constant 0 : index
      %get3A_32 = tpu.vector_load %arg14[%get3A_30, %get3A_31] {strides = array<i32>} : memref<16x64xf32, #tpu.memory_space<vmem>>, vector<1x16xf32>,
      %get3A_33 = vector.shape_cast %get3A_32 : vector<1x16xf32> to vector<16xf32>
      %add3A_34 = arith.addf %get3A_29, %get3A_33 : vector<16xf32>
      %swap3A = arith.index_cast %scan3A_26 : i32 to index
      %swap3A_35 = arith.constant 0 : index
      %swap3A_36 = tpu.vector_load %arg13[%swap3A, %swap3A_35] {strides = array<i32>} : memref<16x64xf32, #tpu.memory_space<vmem>>, vector<1x16xf32>,
      %swap3A_37 = vector.shape_cast %swap3A_36 : vector<1x16xf32> to vector<16xf32>
      %swap3A_38 = vector.shape_cast %add3A_34 : vector<16xf32> to vector<1x16xf32>
      tpu.vector_store %arg13[%swap3A, %swap3A_35], %swap3A_38 {strides = array<i32>} : memref<16x64xf32, #tpu.memory_space<vmem>>, vector<1x16xf32>,
      %get3A_39 = arith.index_cast %scan3A_26 : i32 to index
      %get3A_40 = arith.constant 16 : index
      %get3A_41 = tpu.vector_load %arg13[%get3A_39, %get3A_40] {strides = array<i32>} : memref<16x64xf32, #tpu.memory_space<vmem>>, vector<1x16xf32>,
      %get3A_42 = vector.shape_cast %get3A_41 : vector<1x16xf32> to vector<16xf32>
      %get3A_43 = arith.index_cast %scan3A_26 : i32 to index
      %get3A_44 = arith.constant 16 : index
      %get3A_45 = tpu.vector_load %arg14[%get3A_43, %get3A_44] {strides = array<i32>} : memref<16x64xf32, #tpu.memory_space<vmem>>, vector<1x16xf32>,
      %get3A_46 = vector.shape_cast %get3A_45 : vector<1x16xf32> to vector<16xf32>
      %add3A_47 = arith.addf %get3A_42, %get3A_46 : vector<16xf32>
      %swap3A_48 = arith.index_cast %scan3A_26 : i32 to index
      %swap3A_49 = arith.constant 16 : index
      %swap3A_50 = tpu.vector_load %arg13[%swap3A_48, %swap3A_49] {strides = array<i32>} : memref<16x64xf32, #tpu.memory_space<vmem>>, vector<1x16xf32>,
      %swap3A_51 = vector.shape_cast %swap3A_50 : vector<1x16xf32> to vector<16xf32>
      %swap3A_52 = vector.shape_cast %add3A_47 : vector<16xf32> to vector<1x16xf32>
      tpu.vector_store %arg13[%swap3A_48, %swap3A_49], %swap3A_52 {strides = array<i32>} : memref<16x64xf32, #tpu.memory_space<vmem>>, vector<1x16xf32>,
      %get3A_53 = arith.index_cast %scan3A_26 : i32 to index
      %get3A_54 = arith.constant 32 : index
      %get3A_55 = tpu.vector_load %arg13[%get3A_53, %get3A_54] {strides = array<i32>} : memref<16x64xf32, #tpu.memory_space<vmem>>, vector<1x16xf32>,
      %get3A_56 = vector.shape_cast %get3A_55 : vector<1x16xf32> to vector<16xf32>
      %get3A_57 = arith.index_cast %scan3A_26 : i32 to index
      %get3A_58 = arith.constant 32 : index
      %get3A_59 = tpu.vector_load %arg14[%get3A_57, %get3A_58] {strides = array<i32>} : memref<16x64xf32, #tpu.memory_space<vmem>>, vector<1x16xf32>,
      %get3A_60 = vector.shape_cast %get3A_59 : vector<1x16xf32> to vector<16xf32>
      %add3A_61 = arith.addf %get3A_56, %get3A_60 : vector<16xf32>
      %swap3A_62 = arith.index_cast %scan3A_26 : i32 to index
      %swap3A_63 = arith.constant 32 : index
      %swap3A_64 = tpu.vector_load %arg13[%swap3A_62, %swap3A_63] {strides = array<i32>} : memref<16x64xf32, #tpu.memory_space<vmem>>, vector<1x16xf32>,
      %swap3A_65 = vector.shape_cast %swap3A_64 : vector<1x16xf32> to vector<16xf32>
      %swap3A_66 = vector.shape_cast %add3A_61 : vector<16xf32> to vector<1x16xf32>
      tpu.vector_store %arg13[%swap3A_62, %swap3A_63], %swap3A_66 {strides = array<i32>} : memref<16x64xf32, #tpu.memory_space<vmem>>, vector<1x16xf32>,
      %get3A_67 = arith.index_cast %scan3A_26 : i32 to index
      %get3A_68 = arith.constant 48 : index
      %get3A_69 = tpu.vector_load %arg13[%get3A_67, %get3A_68] {strides = array<i32>} : memref<16x64xf32, #tpu.memory_space<vmem>>, vector<1x16xf32>,
      %get3A_70 = vector.shape_cast %get3A_69 : vector<1x16xf32> to vector<16xf32>
      %get3A_71 = arith.index_cast %scan3A_26 : i32 to index
      %get3A_72 = arith.constant 48 : index
      %get3A_73 = tpu.vector_load %arg14[%get3A_71, %get3A_72] {strides = array<i32>} : memref<16x64xf32, #tpu.memory_space<vmem>>, vector<1x16xf32>,
      %get3A_74 = vector.shape_cast %get3A_73 : vector<1x16xf32> to vector<16xf32>
      %add3A_75 = arith.addf %get3A_70, %get3A_74 : vector<16xf32>
      %swap3A_76 = arith.index_cast %scan3A_26 : i32 to index
      %swap3A_77 = arith.constant 48 : index
      %swap3A_78 = tpu.vector_load %arg13[%swap3A_76, %swap3A_77] {strides = array<i32>} : memref<16x64xf32, #tpu.memory_space<vmem>>, vector<1x16xf32>,
      %swap3A_79 = vector.shape_cast %swap3A_78 : vector<1x16xf32> to vector<16xf32>
      %swap3A_80 = vector.shape_cast %add3A_75 : vector<16xf32> to vector<1x16xf32>
      tpu.vector_store %arg13[%swap3A_76, %swap3A_77], %swap3A_80 {strides = array<i32>} : memref<16x64xf32, #tpu.memory_space<vmem>>, vector<1x16xf32>,
    }
    %scan3A_25 = arith.constant 16 : i32
    "tpu.region"() ({
      %run_scoped3A = tpu.sem_alloc : memref<!tpu.dma_semaphore, #tpu.memory_space<semaphore_mem>>
      %dma_start3A_26 = arith.constant 0 : i32
      %dma_start3A_27 = tpu.memref_slice %arg6[%add3A_9, %dma_start3A_26] : memref<320000x64xf32, #tpu.memory_space<hbm>> -> memref<16x64xf32, #tpu.memory_space<hbm>>
      %dma_start3A_28 = arith.constant 0 : i32
      %dma_start3A_29 = tpu.memref_slice %arg6[%add3A_9, %dma_start3A_28] : memref<320000x64xf32, #tpu.memory_space<hbm>> -> memref<16x64xf32, #tpu.memory_space<hbm>>
      tpu.enqueue_dma source(%arg13 : memref<16x64xf32, #tpu.memory_space<vmem>>) target(%dma_start3A_29 : memref<16x64xf32, #tpu.memory_space<hbm>>) target_semaphore(%run_scoped3A : memref<!tpu.dma_semaphore, #tpu.memory_space<semaphore_mem>>)
      %dma_wait3A_30 = arith.constant 0 : i32
      %dma_wait3A_31 = tpu.memref_slice %arg6[%add3A_9, %dma_wait3A_30] : memref<320000x64xf32, #tpu.memory_space<hbm>> -> memref<16x64xf32, #tpu.memory_space<hbm>>
      %dma_wait3A_32 = arith.constant 0 : i32
      %dma_wait3A_33 = tpu.memref_slice %arg6[%add3A_9, %dma_wait3A_32] : memref<320000x64xf32, #tpu.memory_space<hbm>> -> memref<16x64xf32, #tpu.memory_space<hbm>>
      tpu.wait_dma2 semaphore(%run_scoped3A : memref<!tpu.dma_semaphore, #tpu.memory_space<semaphore_mem>>) src(%arg13 : memref<16x64xf32, #tpu.memory_space<vmem>>) dst(%dma_wait3A_33 : memref<16x64xf32, #tpu.memory_space<hbm>>)
      tpu.yield
    }) : () -> ()
    return
  }
}

module attributes {stable_mosaic.version = 14 : i64} {
  func.func @body(%arg0: memref<2x10240x128xf32, #tpu.memory_space<vmem>>, %arg1: memref<10000x128xf32, #tpu.memory_space<vmem>>, %arg2: memref<128x128xf32, #tpu.memory_space<vmem>>, %arg3: memref<128x128xf32, #tpu.memory_space<vmem>>, %arg4: memref<1x128xf32, #tpu.memory_space<vmem>>, %arg5: memref<10000x128xf32, #tpu.memory_space<vmem>>) attributes {dimension_semantics = [], scalar_prefetch = 0 : i64, scratch_operands = 0 : i64, tpu.core_type = #tpu.core_type<tc>} {
    %get3A = arith.constant 0 : index
    %get3A_0 = arith.constant 0 : index
    %get3A_1 = arith.constant 0 : index
    %get3A_2 = vector.load %arg0[%get3A, %get3A_0, %get3A_1] : memref<2x10240x128xf32, #tpu.memory_space<vmem>>, vector<1x10000x128xf32>
    %get3A_3 = vector.shape_cast %get3A_2 : vector<1x10000x128xf32> to vector<10000x128xf32>
    %get3A_4 = arith.constant 1 : index
    %get3A_5 = arith.constant 0 : index
    %get3A_6 = arith.constant 0 : index
    %get3A_7 = vector.load %arg0[%get3A_4, %get3A_5, %get3A_6] : memref<2x10240x128xf32, #tpu.memory_space<vmem>>, vector<1x10000x128xf32>
    %get3A_8 = vector.shape_cast %get3A_7 : vector<1x10000x128xf32> to vector<10000x128xf32>
    %add3A = arith.addf %get3A_3, %get3A_8 : vector<10000x128xf32>
    %get3A_9 = arith.constant 0 : index
    %get3A_10 = arith.constant 0 : index
    %get3A_11 = vector.load %arg2[%get3A_9, %get3A_10] : memref<128x128xf32, #tpu.memory_space<vmem>>, vector<128x128xf32>
    %dot_general3A = arith.constant dense<0.000000e+00> : vector<10000x128xf32>
    %dot_general3A_12 = tpu.matmul %add3A, %get3A_11, %dot_general3A {dimension_numbers = #tpu.dot_dimension_numbers<[1], [0], [0], [1], [0, 0, 1, 1], [], []>, transpose_lhs_hint = false} : vector<10000x128xf32>, vector<128x128xf32>, vector<10000x128xf32> -> vector<10000x128xf32>
    %get3A_13 = arith.constant 0 : index
    %get3A_14 = arith.constant 0 : index
    %get3A_15 = vector.load %arg1[%get3A_13, %get3A_14] : memref<10000x128xf32, #tpu.memory_space<vmem>>, vector<10000x128xf32>
    %get3A_16 = arith.constant 0 : index
    %get3A_17 = arith.constant 0 : index
    %get3A_18 = vector.load %arg3[%get3A_16, %get3A_17] : memref<128x128xf32, #tpu.memory_space<vmem>>, vector<128x128xf32>
    %dot_general3A_19 = arith.constant dense<0.000000e+00> : vector<10000x128xf32>
    %dot_general3A_20 = tpu.matmul %get3A_15, %get3A_18, %dot_general3A_19 {dimension_numbers = #tpu.dot_dimension_numbers<[1], [0], [0], [1], [0, 0, 1, 1], [], []>, transpose_lhs_hint = false} : vector<10000x128xf32>, vector<128x128xf32>, vector<10000x128xf32> -> vector<10000x128xf32>
    %add3A_21 = arith.addf %dot_general3A_12, %dot_general3A_20 : vector<10000x128xf32>
    %get3A_22 = arith.constant 0 : index
    %get3A_23 = arith.constant 0 : index
    %get3A_24 = vector.load %arg4[%get3A_22, %get3A_23] : memref<1x128xf32, #tpu.memory_space<vmem>>, vector<1x128xf32>
    %add3A_25 = vector.broadcast %get3A_24 : vector<1x128xf32> to vector<10000x128xf32>
    %add3A_26 = arith.addf %add3A_21, %add3A_25 : vector<10000x128xf32>
    %max3A = arith.constant 0.000000e+00 : f32
    %max3A_27 = vector.broadcast %max3A : f32 to vector<10000x128xf32>
    %max3A_28 = arith.maximumf %add3A_26, %max3A_27 : vector<10000x128xf32>
    %swap3A = arith.constant 0 : index
    %swap3A_29 = arith.constant 0 : index
    %swap3A_30 = vector.load %arg5[%swap3A, %swap3A_29] : memref<10000x128xf32, #tpu.memory_space<vmem>>, vector<10000x128xf32>
    tpu.vector_store %arg5[%swap3A, %swap3A_29], %max3A_28 {strides = array<i32>} : memref<10000x128xf32, #tpu.memory_space<vmem>>, vector<10000x128xf32>,
    return
  }
}

module attributes {stable_mosaic.version = 14 : i64} {
  func.func @body(%arg0: memref<10000x128xf32, #tpu.memory_space<vmem>>, %arg1: memref<128x128xf32, #tpu.memory_space<vmem>>, %arg2: memref<1x128xf32, #tpu.memory_space<vmem>>, %arg3: memref<10000x128xf32, #tpu.memory_space<vmem>>) attributes {dimension_semantics = [], scalar_prefetch = 0 : i64, scratch_operands = 0 : i64, tpu.core_type = #tpu.core_type<tc>} {
    %get3A = arith.constant 0 : index
    %get3A_0 = arith.constant 0 : index
    %get3A_1 = vector.load %arg0[%get3A, %get3A_0] : memref<10000x128xf32, #tpu.memory_space<vmem>>, vector<10000x128xf32>
    %get3A_2 = arith.constant 0 : index
    %get3A_3 = arith.constant 0 : index
    %get3A_4 = vector.load %arg1[%get3A_2, %get3A_3] : memref<128x128xf32, #tpu.memory_space<vmem>>, vector<128x128xf32>
    %dot_general3A = arith.constant dense<0.000000e+00> : vector<10000x128xf32>
    %dot_general3A_5 = tpu.matmul %get3A_1, %get3A_4, %dot_general3A {dimension_numbers = #tpu.dot_dimension_numbers<[1], [0], [0], [1], [0, 0, 1, 1], [], []>, transpose_lhs_hint = false} : vector<10000x128xf32>, vector<128x128xf32>, vector<10000x128xf32> -> vector<10000x128xf32>
    %get3A_6 = arith.constant 0 : index
    %get3A_7 = arith.constant 0 : index
    %get3A_8 = vector.load %arg2[%get3A_6, %get3A_7] : memref<1x128xf32, #tpu.memory_space<vmem>>, vector<1x128xf32>
    %add3A = vector.broadcast %get3A_8 : vector<1x128xf32> to vector<10000x128xf32>
    %add3A_9 = arith.addf %dot_general3A_5, %add3A : vector<10000x128xf32>
    %max3A = arith.constant 0.000000e+00 : f32
    %max3A_10 = vector.broadcast %max3A : f32 to vector<10000x128xf32>
    %max3A_11 = arith.maximumf %add3A_9, %max3A_10 : vector<10000x128xf32>
    %swap3A = arith.constant 0 : index
    %swap3A_12 = arith.constant 0 : index
    %swap3A_13 = vector.load %arg3[%swap3A, %swap3A_12] : memref<10000x128xf32, #tpu.memory_space<vmem>>, vector<10000x128xf32>
    tpu.vector_store %arg3[%swap3A, %swap3A_12], %max3A_11 {strides = array<i32>} : memref<10000x128xf32, #tpu.memory_space<vmem>>, vector<10000x128xf32>,
    return
  }
}

module attributes {stable_mosaic.version = 14 : i64} {
  func.func @body(%arg0: memref<2x10240x128xf32, #tpu.memory_space<vmem>>, %arg1: memref<10000x128xf32, #tpu.memory_space<vmem>>, %arg2: memref<128x128xf32, #tpu.memory_space<vmem>>, %arg3: memref<128x128xf32, #tpu.memory_space<vmem>>, %arg4: memref<1x128xf32, #tpu.memory_space<vmem>>, %arg5: memref<128x64xf32, #tpu.memory_space<vmem>>, %arg6: memref<128x64xf32, #tpu.memory_space<vmem>>, %arg7: memref<1x64xf32, #tpu.memory_space<vmem>>, %arg8: memref<10000x64xf32, #tpu.memory_space<vmem>>, %arg9: memref<10000x64xf32, #tpu.memory_space<vmem>>) attributes {dimension_semantics = [], scalar_prefetch = 0 : i64, scratch_operands = 0 : i64, tpu.core_type = #tpu.core_type<tc>} {
    %get3A = arith.constant 0 : index
    %get3A_0 = arith.constant 0 : index
    %get3A_1 = arith.constant 0 : index
    %get3A_2 = vector.load %arg0[%get3A, %get3A_0, %get3A_1] : memref<2x10240x128xf32, #tpu.memory_space<vmem>>, vector<1x10000x128xf32>
    %get3A_3 = vector.shape_cast %get3A_2 : vector<1x10000x128xf32> to vector<10000x128xf32>
    %get3A_4 = arith.constant 1 : index
    %get3A_5 = arith.constant 0 : index
    %get3A_6 = arith.constant 0 : index
    %get3A_7 = vector.load %arg0[%get3A_4, %get3A_5, %get3A_6] : memref<2x10240x128xf32, #tpu.memory_space<vmem>>, vector<1x10000x128xf32>
    %get3A_8 = vector.shape_cast %get3A_7 : vector<1x10000x128xf32> to vector<10000x128xf32>
    %add3A = arith.addf %get3A_3, %get3A_8 : vector<10000x128xf32>
    %get3A_9 = arith.constant 0 : index
    %get3A_10 = arith.constant 0 : index
    %get3A_11 = vector.load %arg2[%get3A_9, %get3A_10] : memref<128x128xf32, #tpu.memory_space<vmem>>, vector<128x128xf32>
    %dot_general3A = arith.constant dense<0.000000e+00> : vector<10000x128xf32>
    %dot_general3A_12 = tpu.matmul %add3A, %get3A_11, %dot_general3A {dimension_numbers = #tpu.dot_dimension_numbers<[1], [0], [0], [1], [0, 0, 1, 1], [], []>, transpose_lhs_hint = false} : vector<10000x128xf32>, vector<128x128xf32>, vector<10000x128xf32> -> vector<10000x128xf32>
    %get3A_13 = arith.constant 0 : index
    %get3A_14 = arith.constant 0 : index
    %get3A_15 = vector.load %arg1[%get3A_13, %get3A_14] : memref<10000x128xf32, #tpu.memory_space<vmem>>, vector<10000x128xf32>
    %get3A_16 = arith.constant 0 : index
    %get3A_17 = arith.constant 0 : index
    %get3A_18 = vector.load %arg3[%get3A_16, %get3A_17] : memref<128x128xf32, #tpu.memory_space<vmem>>, vector<128x128xf32>
    %dot_general3A_19 = arith.constant dense<0.000000e+00> : vector<10000x128xf32>
    %dot_general3A_20 = tpu.matmul %get3A_15, %get3A_18, %dot_general3A_19 {dimension_numbers = #tpu.dot_dimension_numbers<[1], [0], [0], [1], [0, 0, 1, 1], [], []>, transpose_lhs_hint = false} : vector<10000x128xf32>, vector<128x128xf32>, vector<10000x128xf32> -> vector<10000x128xf32>
    %add3A_21 = arith.addf %dot_general3A_12, %dot_general3A_20 : vector<10000x128xf32>
    %get3A_22 = arith.constant 0 : index
    %get3A_23 = arith.constant 0 : index
    %get3A_24 = vector.load %arg4[%get3A_22, %get3A_23] : memref<1x128xf32, #tpu.memory_space<vmem>>, vector<1x128xf32>
    %add3A_25 = vector.broadcast %get3A_24 : vector<1x128xf32> to vector<10000x128xf32>
    %add3A_26 = arith.addf %add3A_21, %add3A_25 : vector<10000x128xf32>
    %max3A = arith.constant 0.000000e+00 : f32
    %max3A_27 = vector.broadcast %max3A : f32 to vector<10000x128xf32>
    %max3A_28 = arith.maximumf %add3A_26, %max3A_27 : vector<10000x128xf32>
    %get3A_29 = arith.constant 0 : index
    %get3A_30 = arith.constant 0 : index
    %get3A_31 = vector.load %arg5[%get3A_29, %get3A_30] : memref<128x64xf32, #tpu.memory_space<vmem>>, vector<128x64xf32>
    %dot_general3A_32 = arith.constant dense<0.000000e+00> : vector<10000x64xf32>
    %dot_general3A_33 = tpu.matmul %max3A_28, %get3A_31, %dot_general3A_32 {dimension_numbers = #tpu.dot_dimension_numbers<[1], [0], [0], [1], [0, 0, 1, 1], [], []>, transpose_lhs_hint = false} : vector<10000x128xf32>, vector<128x64xf32>, vector<10000x64xf32> -> vector<10000x64xf32>
    %get3A_34 = arith.constant 0 : index
    %get3A_35 = arith.constant 0 : index
    %get3A_36 = vector.load %arg7[%get3A_34, %get3A_35] : memref<1x64xf32, #tpu.memory_space<vmem>>, vector<1x64xf32>
    %add3A_37 = vector.broadcast %get3A_36 : vector<1x64xf32> to vector<10000x64xf32>
    %add3A_38 = arith.addf %dot_general3A_33, %add3A_37 : vector<10000x64xf32>
    %swap3A = arith.constant 0 : index
    %swap3A_39 = arith.constant 0 : index
    %swap3A_40 = vector.load %arg8[%swap3A, %swap3A_39] : memref<10000x64xf32, #tpu.memory_space<vmem>>, vector<10000x64xf32>
    tpu.vector_store %arg8[%swap3A, %swap3A_39], %add3A_38 {strides = array<i32>} : memref<10000x64xf32, #tpu.memory_space<vmem>>, vector<10000x64xf32>,
    %get3A_41 = arith.constant 0 : index
    %get3A_42 = arith.constant 0 : index
    %get3A_43 = vector.load %arg6[%get3A_41, %get3A_42] : memref<128x64xf32, #tpu.memory_space<vmem>>, vector<128x64xf32>
    %dot_general3A_44 = arith.constant dense<0.000000e+00> : vector<10000x64xf32>
    %dot_general3A_45 = tpu.matmul %max3A_28, %get3A_43, %dot_general3A_44 {dimension_numbers = #tpu.dot_dimension_numbers<[1], [0], [0], [1], [0, 0, 1, 1], [], []>, transpose_lhs_hint = false} : vector<10000x128xf32>, vector<128x64xf32>, vector<10000x64xf32> -> vector<10000x64xf32>
    %swap3A_46 = arith.constant 0 : index
    %swap3A_47 = arith.constant 0 : index
    %swap3A_48 = vector.load %arg9[%swap3A_46, %swap3A_47] : memref<10000x64xf32, #tpu.memory_space<vmem>>, vector<10000x64xf32>
    tpu.vector_store %arg9[%swap3A_46, %swap3A_47], %dot_general3A_45 {strides = array<i32>} : memref<10000x64xf32, #tpu.memory_space<vmem>>, vector<10000x64xf32>,
    return
  }
}

</mosaic_0001>

<sc_bundles>
// kernel: kernel.11.cloned.1.call-start
scs
__scs_entry_jumppad:
0x0: {  	(pc) =	sbr.rel $0x88, $3  }
0x1: {  	(tag) =	ssettag $0x0;
	lr =	simm.s32 $0x1  }
0x2: {  	[smem:$0x3F95] =	sst lr;
	_ =	strace $0xD0000000  }
0x3: {  	_ = 	snop  }
0x4: {  	_ = 	snop  }
0x5: {  	_ = 	snop  }
0x6: {  	_ = 	snop  }
0x7: {  	_ = 	snop  }
__scs_overlays_trampoline_lowered:
0x8: {  	[smem:$0x3FA4] =	sst s0  }
0x9: {  	[smem:$0x3FA5] =	sst s1  }
0xa: {  	[smem:$0x3FA6] =	sst s2  }
0xb: {  	[smem:$0x3FA7] =	sst s3  }
0xc: {  	[smem:$0x3FA8] =	sst s4  }
0xd: {  	[smem:$0x3FA9] =	sst s5  }
0xe: {  	[smem:$0x3FAA] =	sst s6  }
0xf: {  	[smem:$0x3FAB] =	sst s7  }
0x10: {  	[smem:$0x3FAC] =	sst s8  }
0x11: {  	[smem:$0x3FAD] =	sst s9;
	s0 =	simm.s32 @!p0 $0x0  }
0x12: {  	s1 =	sld [smem:$0x3F93];
	s0 =	simm.s32 @p0 $0x1  }
0x13: {  	[smem:$0x3FAE] =	sst s0;
	s0 =	simm.s32 @!p1 $0x0  }
0x14: {  	s2 =	sld [smem:$0x3F92];
	s0 =	simm.s32 @p1 $0x1  }
0x15: {  	[smem:$0x3FAF] =	sst s0;
	s0 =	simm.s32 @!p2 $0x0  }
0x16: {  	s3 =	sld [smem:$0x3FDB];
	s0 =	simm.s32 @p2 $0x1  }
0x17: {  	s4 =	simm.s32 $0x1BF5;
	[smem:$0x3FB1] =	sst s0  }
0x18: {  	s0 =	sld [smem:$0x3F94];
	_ =	swait.ge [sflag:s4], $0x0  }
0x19: {  	s7 =	sld [smem:$0x3F95]  }
0x1a: {  	s8 =	sadd.s32 $0xFFFFE003, lr  }
0x1b: {  	s9 =	sadd.s32 $0xFFFFFEF7, lr;
	s5 =	simm.s32 $0xFFFFFFFF;
	p2 =	slt.u32 s8, $0xFFFFF086  }
0x1c: {  	p1 =	slt.u32 s9, $0xF7A;
	s5 =	simm.s32 @!p2 $0x0  }
0x1d: {  	s5 =	simm.s32 @p1 $0x1;
	p0 =	seq.s32 s7, s2  }
0x1e: {  	s7 =	smul.u32 @!p0 $0xF7A, s2;
	p2 =	seq.s32 @!p0 s5, $0x0  }
0x1f: {  	s9 =	smul.u32 $0xF7A, s1;
	s8 =	simm.s32 @!p0 $0x1BF5;
	p2 =	por !p2, p0  }
0x20: {  	[sflag:s8] =	ssyncset.s32 @!p0 $0xFFFFF086;
	s6 =	sadd.s32 @!p0 s3, s7;
	s7 =	simm.s32 @!p0 $0x108  }
0x21: {  	s3 =	sadd.s32 s3, s9;
	s6 =	sadd.s32 @!p0 $0x88, s6;
	s7 =	simm.s32 @p2 $0x1082  }
0x22: {  	[simem:s7], [sflag:s8] =	dma.local @!p0 [hbm:s6], $0xF7A  }
0x23: {  	s9 =	sor.u32 $0xD0000000, s2;
	s6 =	simm.s32 $0x108;
	_ =	swait.ge @!p0 [sflag:s8], $0x0  }
0x24: {  	s3 =	sadd.s32 $0x88, s3;
	s6 =	simm.s32 @!p1 $0x1082;
	[sflag:s4] =	ssyncset.s32 $0xFFFFF086  }
0x25: {  	[simem:s6], [sflag:s4] =	dma.local [hbm:s3], $0xF7A  }
0x26: {  	[smem:$0x3F95] =	sst s1;
	(tag) =	ssettag s2;
	_ =	strace s9  }
0x27: {  	s1 =	sld [smem:$0x3FA5]  }
0x28: {  	s2 =	sld [smem:$0x3FA6]  }
0x29: {  	s4 =	sld [smem:$0x3FA8]  }
0x2a: {  	p0 =	seq.s32 s5, $0x0;
	s5 =	sld [smem:$0x3FA9]  }
0x2b: {  	s6 =	sld [smem:$0x3FAA]  }
0x2c: {  	s7 =	sld [smem:$0x3FAB]  }
0x2d: {  	s3 =	simm.s32 $0x108;
	s8 =	sld [smem:$0x3FAC]  }
0x2e: {  	s3 =	simm.s32 @!p0 $0x1082;
	s9 =	sld [smem:$0x3FAD]  }
0x2f: {  	lr =	sadd.s32 s0, s3;
	s0 =	sld [smem:$0x3FA4]  }
0x30: {  	s3 =	sld [smem:$0x3FA7]  }
0x31: {  	[smem:$0x3FB0] =	sst s10  }
0x32: {  	s10 =	sld [smem:$0x3FAE];
	_ =	sdelay $0x3  }
0x33: {  	p0 =	seq.s32 s10, $0x1;
	s10 =	sld [smem:$0x3FB0];
	_ =	sdelay $0x3  }
0x34: {  	[smem:$0x3FB0] =	sst s10  }
0x35: {  	s10 =	sld [smem:$0x3FAF];
	_ =	sdelay $0x3  }
0x36: {  	p1 =	seq.s32 s10, $0x1;
	s10 =	sld [smem:$0x3FB0];
	_ =	sdelay $0x3  }
0x37: {  	[smem:$0x3FB0] =	sst s10  }
0x38: {  	s10 =	sld [smem:$0x3FB1]  }
0x39: {  	_ = 	snop;
	(pc) =	sbr.ind lr, $3  }
0x3a: {  	_ = 	snop  }
0x3b: {  	_ = 	snop  }
0x3c: {  	p2 =	seq.s32 s10, $0x1;
	s10 =	sld [smem:$0x3FB0]  }
0x3d: {  	_ =	shalt  }
0x3e: {  	_ =	shalt  }
0x3f: {  	_ =	shalt  }
0x40: {  	_ =	shalt  }
0x41: {  	_ =	shalt  }
0x42: {  	_ =	shalt  }
0x43: {  	_ =	shalt  }
0x44: {  	_ =	shalt  }
0x45: {  	_ =	shalt  }
0x46: {  	_ =	shalt  }
0x47: {  	_ =	shalt  }
0x48: {  	_ =	shalt  }
0x49: {  	_ =	shalt  }
0x4a: {  	_ =	shalt  }
0x4b: {  	_ =	shalt  }
0x4c: {  	_ =	shalt  }
0x4d: {  	_ =	shalt  }
0x4e: {  	_ =	shalt  }
0x4f: {  	_ =	shalt  }
0x50: {  	_ =	shalt  }
0x51: {  	_ =	shalt  }
0x52: {  	_ =	shalt  }
0x53: {  	_ =	shalt  }
0x54: {  	_ =	shalt  }
0x55: {  	_ =	shalt  }
0x56: {  	_ =	shalt  }
0x57: {  	_ =	shalt  }
0x58: {  	_ =	shalt  }
0x59: {  	_ =	shalt  }
0x5a: {  	_ =	shalt  }
0x5b: {  	_ =	shalt  }
0x5c: {  	_ =	shalt  }
0x5d: {  	_ =	shalt  }
0x5e: {  	_ =	shalt  }
0x5f: {  	_ =	shalt  }
0x60: {  	_ =	shalt  }
0x61: {  	_ =	shalt  }
0x62: {  	_ =	shalt  }
0x63: {  	_ =	shalt  }
0x64: {  	_ =	shalt  }
0x65: {  	_ =	shalt  }
0x66: {  	_ =	shalt  }
0x67: {  	_ =	shalt  }
0x68: {  	_ =	shalt  }
0x69: {  	_ =	shalt  }
0x6a: {  	_ =	shalt  }
0x6b: {  	_ =	shalt  }
0x6c: {  	_ =	shalt  }
0x6d: {  	_ =	shalt  }
0x6e: {  	_ =	shalt  }
0x6f: {  	_ =	shalt  }
0x70: {  	_ =	shalt  }
0x71: {  	_ =	shalt  }
0x72: {  	_ =	shalt  }
0x73: {  	_ =	shalt  }
0x74: {  	_ =	shalt  }
0x75: {  	_ =	shalt  }
0x76: {  	_ =	shalt  }
0x77: {  	_ =	shalt  }
0x78: {  	_ =	shalt  }
0x79: {  	_ =	shalt  }
0x7a: {  	_ =	shalt  }
0x7b: {  	_ =	shalt  }
0x7c: {  	_ =	shalt  }
0x7d: {  	_ =	shalt  }
0x7e: {  	_ =	shalt  }
0x7f: {  	_ =	shalt  }
0x80: {  	_ =	shalt  }
0x81: {  	_ =	shalt  }
0x82: {  	_ =	shalt  }
0x83: {  	_ =	shalt  }
0x84: {  	_ =	shalt  }
0x85: {  	_ =	shalt  }
0x86: {  	_ =	shalt  }
0x87: {  	_ =	shalt  }
.Lfunc_end0:
.L_simem_size_0:
called_computation.2_lowered:
.L_overlay_start_0:
0x88: {  	s2 =	sld [smem:$0x3FD9]  }
0x89: {  	s3 =	sld [smem:$0x3FFE];
	_ =	sdelay $0x1  }
0x8a: {  	s1 =	srdreg.scid  }
0x8b: {  	s0 =	sand.u32 $0x1, s1  }
0x8c: {  	s17 =	sshll.u32 s0, $0xA;
	s2 =	sadd.s32 s3, s2  }
0x8d: {  	s2 =	sadd.s32 s2, s17  }
0x8e: {  	[smem:$0x3FBC] =	sst s2  }
0x8f: {  	_ = 	snop  }
0x90: {  	s2 =	sld [smem:$0x3FD0];
	(tm) =	ssettm $0x1  }
0x91: {  	s18 =	sld [smem:$0x3FFB];
	_ =	sdelay $0x3  }
0x92: {  	_ =	strace s18  }
0x93: {  	s3 =	sld [smem:$0x3FFC];
	_ =	sdelay $0x3  }
0x94: {  	_ =	strace s3  }
0x95: {  	s3 =	sld [smem:$0x3FFD];
	_ =	sdelay $0x3  }
0x96: {  	_ =	strace s3  }
0x97: {  	_ =	strace $0x8FFFFFFF  }
0x98: {  	s19 =	sld [smem:$0x3FDB];
	_ =	sdelay $0x1  }
0x99: {  	s4 =	simm.s32 $_scs_section_size  }
0x9a: {  	s5 =	simm.s32 $_size__tile_overlayer_lowered;
	s6 =	simm.s32 $_tile_overlayer_lowered  }
0x9b: {  	s22 =	simm.s32 $0x1BFF;
	s21 =	sshll.u32 s6, $0x1;
	s3 =	sadd.s32 s4, s19  }
0x9c: {  	s7 =	simm.s32 $0x0;
	s20 =	sshll.u32 s5, $0x1;
	s5 =	sadd.s32 s21, s3  }
0x9d: {  	[timem:s7], [sflag:s22] =	dma.local [hbm:s5], s20  }
0x9e: {  	_ =	swait.ge [sflag:s22], s20  }
0x9f: {  	s4 =	ssub.s32 $0x0, s20;
	[sflag:s22] =	ssyncset.done $0x0  }
0xa0: {  	[sflag:s22] =	ssyncadd.s32 s4;
	_ =	sdelay $0x1  }
0xa1: {  	s23 =	simm.s32 $0x1B8B  }
0xa2: {  	_ =	swait.ge [sflag:s23], $0x1  }
0xa3: {  	[sflag:s23] =	ssyncset.done $0x0  }
0xa4: {  	s25 =	simm.s32 $0x1B8E;
	s24 =	sld [smem:$0x3FFE];
	[sflag:s23] =	ssyncadd.s32 $0xFFFFFFFF  }
0xa5: {  	s26 =	simm.s32 $execute0_lowered;
	[smem:$0x3FD2] =	sst s25  }
0xa6: {  	s5 =	sshll.u32 s26, $0x1;
	_ =	strace $0x80000049;
	[dreg:$0x1] =	wrdreg $0xFFFFFFFF  }
0xa7: {  	s28 =	simm.s32 $_size_execute0_lowered;
	s3 =	sadd.s32 s3, s5;
	[dreg:$0x0] =	wrdreg $0x0  }
0xa8: {  	s5 =	sshll.u32 s28, $0x1;
	[dreg:$0x2] =	wrdreg s3  }
0xa9: {  	[dreg:$0x3] =	wrdreg s5  }
0xaa: {  	[dreg:$0x4] =	wrdreg $0xC0  }
0xab: {  	_ =	task [dreg:s7], $0x5FFFF  }
0xac: {  	[dreg:$0x1] =	wrdreg $0xFFFFFFFF  }
0xad: {  	[dreg:$0x0] =	wrdreg $0x60  }
0xae: {  	[dreg:$0x2] =	wrdreg s24  }
0xaf: {  	[dreg:$0x3] =	wrdreg s2  }
0xb0: {  	[dreg:$0x4] =	wrdreg $0x4A000  }
0xb1: {  	[dreg:$0x5] =	wrdreg $0x9  }
0xb2: {  	_ =	task.clear_ibuf [dreg:s7], $0x6FFFF;
	_ =	strace $0x90000049  }
0xb3: {  	s29 =	simm.s32 $0x9;
	_ =	strace $0x8000004B  }
0xb4: {  	_ =	swait.ge [sflag:s29], $0x1  }
0xb5: {  	[sflag:s29] =	ssyncadd.s32 $0xFFFFFFFF  }
0xb6: {  	_ =	strace $0x9000004B  }
0xb7: {  	_ =	sfence  }
0xb8: {  	s30 =	sld [smem:$0x0];
	_ =	sdelay $0x2  }
0xb9: {  	s31 =	sshll.u32 s1, $0xD;
	s1 =	sshrl.u32 s1, $0x2  }
0xba: {  	s3 =	sand.u32 $0x4000, s31;
	s1 =	sadd.s32 s1, s30  }
0xbb: {  	s0 =	sor.u32 s3, s0;
	s1 =	sshll.u32 s1, $0x11  }
0xbc: {  	s0 =	sor.u32 s1, s0  }
0xbd: {  	s0 =	sadd.s32 $0x8F2B, s0  }
0xbe: {  	[sflag:s0] =	ssyncadd.remote.s32 $0x1  }
0xbf: {  	_ =	sfence.sel $0xFFFF  }
0xc0: {  	[dreg:$0x0] =	wrdreg $0xFFFFFFFF;
	(pc) =	sbr.abs _section_cstart, $3  }
0xc1: {  	[dreg:$0x1] =	wrdreg $0xFFFFFFFF  }
0xc2: {  	_ =	task.clear_ibuf [dreg:s7], $0x2FFFF;
	_ =	strace $0x9FFFFFFF  }
0xc3: {  	(tm) =	ssettm $0x7FFFFFFF  }
tec
execute0_lowered:
.L_overlay_start_1:
0x0: {  	(tag) =	ssettag $0x1  }
0x1: {  	s5 =	rddreg [dreg:$0x0]  }
0x2: {  	s9 =	rddreg [dreg:$0x1]  }
0x3: {  	s1 =	rddreg [dreg:$0x2]  }
0x4: {  	s0 =	rddreg [dreg:$0x3];
	s3 =	simm.s32 $0x0;
	s6 =	srdreg.scid  }
0x5: {  	s2 =	stileid.u32;
	s19 =	simm.s32 $0x4180;
	s20 =	simm.s32 $0x10  }
0x6: {  	s21 =	simm.s32 $0x4200;
	s22 =	simm.s32 $0x0;
	[smem:$0x7FF] =	sst s3  }
0x7: {  	s4 =	sadd.s32 $0x16800, s5;
	s6 =	sand.u32 $0x1, s6;
	s8 =	smul.u32 $0x50000, s2  }
0x8: {  	s7 =	sshll.u32 s2, $0x1;
	s12 =	sadd.s32 $0xCA00, s5;
	s28 =	smul.u32 $0x14000, s2  }
0x9: {  	s11 =	sadd.s32 $0x2C00, s5;
	s5 =	sadd.s32 $0x3DA00, s5;
	s16 =	smul.u32 $0x4E20, s2  }
0xa: {  	s29 =	sshll.u32 s2, $0x6;
	_ =	strace $0x8000004A;
	s14 =	smul.u32 $0x140000, s6  }
0xb: {  	s7 =	sor.u32 s6, s7;
	s10 =	ssub.s32 $0x2, s6;
	s18 =	smul.u32 $0x2710, s6  }
0xc: {  	s6 =	sor.u32 $0x1C02, s29;
	s13 =	sshrl.u32 s10, $0x1;
	s8 =	sshrl.u32 s8, $0x2  }
0xd: {  	s7 =	smul.u32 $0x2710, s7;
	s10 =	ssub.s32 s10, s13;
	s15 =	sadd.s32 s8, s1  }
0xe: {  	s13 =	sadd.s32 s28, s14;
	s30 =	sadd.s32 s18, s16;
	s14 =	simm.s32 $0x2  }
0xf: {  	s16 =	simm.s32 $0x100;
	s18 =	simm.s32 $0x4100;
	s7 =	sshrl.u32 s7, $0x3  }
0x10: {  	s13 =	sshrl.u32 s13, $0x3;
	s10 =	smax.u32 s10, $0x1;
	s31 =	sshrl.u32 s30, $0x3  }
0x11: {  	s17 =	sadd.s32 $0x4E0, s7;
	s9 =	sadd.s32 s9, s13;
	s13 =	sshrl.u32 s15, $0x3  }
0x12: {  	s15 =	simm.s32 $0x80;
	s7 =	sadd.s32 s12, s17;
	s8 =	sadd.s32 s11, s17  }
0x13: {  	s11 =	sadd.s32 s31, s11;
	s12 =	sadd.s32 s31, s12;
	s17 =	simm.s32 $0x1  }
.LBB2_1:
0x14: {  	[spmem:s13], [sflag:s6] =	dma.local [hbm:s5], $0x2800  }
0x15: {  	_ =	swait.ge [sflag:s14], $0x2800  }
0x16: {  	[sflag:s14] =	ssyncset.done $0x0  }
0x17: {  	[sflag:s14] =	ssyncadd.s32 $0xFFFFD800  }
0x18: {  	s23 =	sadd.s32 $0x0, s12;
	[bflag:$0x0] =	sbarrier.arrive $0xFFFF  }
0x19: {  	[tilespmem:s3], [sflag:$0x2] =	stream.linear.gather [hbm4b:s23+s3], $0x80, $0x38;
	[tilespmem:$0x18A00] =	vst v63  }
0x1a: {  	_ =	swait.ge [sflag:s14], $0x80  }
0x1b: {  	[sflag:s14] =	ssyncset.done $0x0  }
0x1c: {  	s31 =	sadd.s32 $0x0, s11;
	[sflag:s14] =	ssyncadd.s32 $0xFFFFFF80  }
0x1d: {  	[tilespmem:s15], [sflag:$0x2] =	stream.linear.gather [hbm4b:s31+s3], $0x80, $0x38;
	[tilespmem:$0x18A00] =	vst v63  }
0x1e: {  	_ =	swait.ge [sflag:s14], $0x80  }
0x1f: {  	[sflag:s14] =	ssyncset.done $0x0  }
0x20: {  	[sflag:s14] =	ssyncadd.s32 $0xFFFFFF80  }
0x21: {  	[tilespmem:s16], [sflag:$0x1] =	stream.indirect.gather [hbm4b:s4+s15], $0x80, s3, s15, $0xb8;
	[tilespmem:$0x18A00] =	vst v63  }
0x22: {  	_ =	swait.ge [sflag:s17], $0x4000  }
0x23: {  	[sflag:s17] =	ssyncset.done $0x0  }
0x24: {  	[sflag:s17] =	ssyncadd.s32 $0xFFFFC000  }
0x25: {  	[spmem:s1] =	stream.indirect.scatter.add.f32 [tilespmem:s16], [sflag:$0x2], $0x80, s15, s15, $0xb8;
	[tilespmem:$0x18A00] =	vst v63  }
0x26: {  	_ =	swait.ge [sflag:s14], $0x4000  }
0x27: {  	s24 =	simm.s32 $0x20;
	s23 =	simm.s32 $0x10;
	[sflag:s14] =	ssyncset.done $0x0  }
.LBB2_2:
0x28: {  	s25 =	sadd.s32 s23, s12  }
0x29: {  	[sflag:s14] =	ssyncadd.s32 $0xFFFFC000;
	s26 =	smov.u32 s24;
	s28 =	sadd.s32 $0x10, s24  }
0x2a: {  	[tilespmem:s3], [sflag:$0x2] =	stream.linear.gather [hbm4b:s25+s3], $0x80, $0x38;
	[tilespmem:$0x18A00] =	vst v63  }
0x2b: {  	p0 =	sne.s32 s24, $0x4D0;
	_ =	swait.ge [sflag:s14], $0x80  }
0x2c: {  	[sflag:s14] =	ssyncset.done $0x0  }
0x2d: {  	s24 =	sadd.s32 s23, s11;
	s23 =	smov.u32 s26;
	[sflag:s14] =	ssyncadd.s32 $0xFFFFFF80  }
0x2e: {  	[tilespmem:s15], [sflag:$0x2] =	stream.linear.gather [hbm4b:s24+s3], $0x80, $0x38;
	[tilespmem:$0x18A00] =	vst v63  }
0x2f: {  	_ =	swait.ge [sflag:s14], $0x80  }
0x30: {  	[sflag:s14] =	ssyncset.done $0x0  }
0x31: {  	[sflag:s14] =	ssyncadd.s32 $0xFFFFFF80  }
0x32: {  	[tilespmem:s16], [sflag:$0x1] =	stream.indirect.gather [hbm4b:s4+s15], $0x80, s3, s15, $0xb8;
	[tilespmem:$0x18A00] =	vst v63  }
0x33: {  	_ =	swait.ge [sflag:s17], $0x4000  }
.Ltmp0:
0x34: {  	[sflag:s17] =	ssyncset.done $0x0;
	(pc) =	sbr.rel @p0 .LBB2_2-.Ltmp0, $4  }
0x35: {  	[sflag:s17] =	ssyncadd.s32 $0xFFFFC000  }
0x36: {  	[spmem:s1] =	stream.indirect.scatter.add.f32 [tilespmem:s16], [sflag:$0x2], $0x80, s15, s15, $0xb8;
	[tilespmem:$0x18A00] =	vst v63  }
0x37: {  	_ =	swait.ge [sflag:s14], $0x4000  }
0x38: {  	s24 =	smov.u32 s28;
	[sflag:s14] =	ssyncset.done $0x0  }
0x39: {  	s24 =	sadd.s32 s23, s12;
	[sflag:s14] =	ssyncadd.s32 $0xFFFFC000  }
0x3a: {  	[tilespmem:s3], [sflag:$0x2] =	stream.linear.gather [hbm4b:s24+s3], $0x80, $0x38;
	[tilespmem:$0x18A00] =	vst v63  }
0x3b: {  	_ =	swait.ge [sflag:s14], $0x80  }
0x3c: {  	[sflag:s14] =	ssyncset.done $0x0  }
0x3d: {  	s31 =	sadd.s32 s23, s11;
	[sflag:s14] =	ssyncadd.s32 $0xFFFFFF80  }
0x3e: {  	[tilespmem:s15], [sflag:$0x2] =	stream.linear.gather [hbm4b:s31+s3], $0x80, $0x38;
	[tilespmem:$0x18A00] =	vst v63  }
0x3f: {  	_ =	swait.ge [sflag:s14], $0x80  }
0x40: {  	[sflag:s14] =	ssyncset.done $0x0  }
0x41: {  	[sflag:s14] =	ssyncadd.s32 $0xFFFFFF80  }
0x42: {  	[tilespmem:s16], [sflag:$0x1] =	stream.indirect.gather [hbm4b:s4+s15], $0x80, s3, s15, $0xb8;
	[tilespmem:$0x18A00] =	vst v63  }
0x43: {  	_ =	swait.ge [sflag:s17], $0x4000  }
0x44: {  	[sflag:s17] =	ssyncset.done $0x0  }
0x45: {  	[sflag:s17] =	ssyncadd.s32 $0xFFFFC000  }
0x46: {  	[spmem:s1] =	stream.indirect.scatter.add.f32 [tilespmem:s16], [sflag:$0x2], $0x80, s15, s15, $0xb8;
	[tilespmem:$0x18A00] =	vst v63  }
0x47: {  	_ =	swait.ge [sflag:s14], $0x4000  }
0x48: {  	[sflag:s14] =	ssyncset.done $0x0  }
0x49: {  	[sflag:s14] =	ssyncadd.s32 $0xFFFFC000  }
0x4a: {  	[tilespmem:s18], [sflag:$0x2] =	stream.linear.gather [hbm4b:s7+s3], $0x10, $0x38;
	[tilespmem:$0x18A00] =	vst v63  }
0x4b: {  	_ =	swait.ge [sflag:s14], $0x10  }
0x4c: {  	[sflag:s14] =	ssyncset.done $0x0  }
0x4d: {  	[sflag:s14] =	ssyncadd.s32 $0xFFFFFFF0  }
0x4e: {  	[tilespmem:s19], [sflag:$0x2] =	stream.linear.gather [hbm4b:s8+s3], $0x10, $0x38;
	[tilespmem:$0x18A00] =	vst v63  }
0x4f: {  	_ =	swait.ge [sflag:s14], $0x10  }
0x50: {  	[sflag:s14] =	ssyncset.done $0x0  }
0x51: {  	[sflag:s14] =	ssyncadd.s32 $0xFFFFFFF0  }
0x52: {  	[tilespmem:s21], [sflag:$0x1] =	stream.indirect.gather [hbm4b:s4+s20], $0x80, s18, s20, $0xb8;
	[tilespmem:$0x18A00] =	vst v63  }
0x53: {  	_ =	swait.ge [sflag:s17], $0x800  }
0x54: {  	[sflag:s17] =	ssyncset.done $0x0  }
0x55: {  	[sflag:s17] =	ssyncadd.s32 $0xFFFFF800  }
0x56: {  	[spmem:s1] =	stream.indirect.scatter.add.f32 [tilespmem:s21], [sflag:$0x2], $0x80, s19, s20, $0xb8;
	[tilespmem:$0x18A00] =	vst v63  }
0x57: {  	_ =	swait.ge [sflag:s14], $0x800  }
0x58: {  	s22 =	sadd.s32 $0x1, s22;
	[sflag:s14] =	ssyncset.done $0x0  }
0x59: {  	p0 =	sne.s32 s22, s10;
	[sflag:s14] =	ssyncadd.s32 $0xFFFFF800  }
.Ltmp1:
0x5a: {  	[bflag:$0x0] =	sbarrier.arrive $0xFFFF;
	(pc) =	sbr.rel @p0 .LBB2_1-.Ltmp1, $4  }
0x5b: {  	[hbm:s9], [sflag:s6] =	dma.local [spmem:s13], $0x2800  }
0x5c: {  	_ =	swait.ge [sflag:s14], $0x2800  }
0x5d: {  	[sflag:s14] =	ssyncset.done $0x0  }
0x5e: {  	[sflag:s14] =	ssyncadd.s32 $0xFFFFD800  }
0x5f: {  	_ =	sfence.sel $0x180000  }
0x60: {  	[bflag:$0x0] =	sbarrier.arrive $0xFFFF  }
0x61: {  	p0 =	sne.s32 s2, $0x0;
	_ =	strace $0x9000004A  }
0x62: {  	s0 =	sadd.s32 @!p0 $0x100000, s0;
	[bflag:$0x2] =	sbarrier.arrive $0xFFFF  }
0x63: {  	[sflag:s0] =	ssyncadd.tile.s32 @!p0 $0x1;
	_ =	shalt  }
.Lfunc_end2:
_tile_overlayer_lowered:
.L_overlay_start_2:
0x64: {  	(tag) =	ssettag $0x2  }
0x65: {  	s0 =	rddreg [dreg:$0x0];
	s2 =	stileid.u32  }
0x66: {  	s1 =	rddreg [dreg:$0x1];
	p0 =	sne.s32 s2, $0x0  }
0x67: {  	s3 =	rddreg [dreg:$0x2];
	[bflag:$0x3] =	sbarrier.arrive $0xFFFF;
	s2 =	simm.s32 @!p0 $0x1C02  }
0x68: {  	[timem:s3], [sflag:s2] =	dma.local @!p0 [hbm:s0], s1  }
0x69: {  	s0 =	simm.s32 @!p0 $0x2  }
0x6a: {  	_ =	swait.ge @!p0 [sflag:s0], s1  }
0x6b: {  	s1 =	ssub.s32 @!p0 $0x0, s1;
	[sflag:s0] =	ssyncset.done @!p0 $0x0  }
0x6c: {  	[sflag:s0] =	ssyncadd.s32 @!p0 s1  }
0x6d: {  	[bflag:$0x3] =	sbarrier.arrive $0xFFFF  }
0x6e: {  	_ =	shalt  }

// kernel: kernel.14.cloned.1.call-start
scs
__scs_entry_jumppad:
0x0: {  	(pc) =	sbr.rel $0x88, $3  }
0x1: {  	(tag) =	ssettag $0x0;
	lr =	simm.s32 $0x1  }
0x2: {  	[smem:$0x3F95] =	sst lr;
	_ =	strace $0xD0000000  }
0x3: {  	_ = 	snop  }
0x4: {  	_ = 	snop  }
0x5: {  	_ = 	snop  }
0x6: {  	_ = 	snop  }
0x7: {  	_ = 	snop  }
__scs_overlays_trampoline_lowered:
0x8: {  	[smem:$0x3FA4] =	sst s0  }
0x9: {  	[smem:$0x3FA5] =	sst s1  }
0xa: {  	[smem:$0x3FA6] =	sst s2  }
0xb: {  	[smem:$0x3FA7] =	sst s3  }
0xc: {  	[smem:$0x3FA8] =	sst s4  }
0xd: {  	[smem:$0x3FA9] =	sst s5  }
0xe: {  	[smem:$0x3FAA] =	sst s6  }
0xf: {  	[smem:$0x3FAB] =	sst s7  }
0x10: {  	[smem:$0x3FAC] =	sst s8  }
0x11: {  	[smem:$0x3FAD] =	sst s9;
	s0 =	simm.s32 @!p0 $0x0  }
0x12: {  	s1 =	sld [smem:$0x3F93];
	s0 =	simm.s32 @p0 $0x1  }
0x13: {  	[smem:$0x3FAE] =	sst s0;
	s0 =	simm.s32 @!p1 $0x0  }
0x14: {  	s2 =	sld [smem:$0x3F92];
	s0 =	simm.s32 @p1 $0x1  }
0x15: {  	[smem:$0x3FAF] =	sst s0;
	s0 =	simm.s32 @!p2 $0x0  }
0x16: {  	s3 =	sld [smem:$0x3FDB];
	s0 =	simm.s32 @p2 $0x1  }
0x17: {  	s4 =	simm.s32 $0x1BF5;
	[smem:$0x3FB1] =	sst s0  }
0x18: {  	s0 =	sld [smem:$0x3F94];
	_ =	swait.ge [sflag:s4], $0x0  }
0x19: {  	s7 =	sld [smem:$0x3F95]  }
0x1a: {  	s8 =	sadd.s32 $0xFFFFE003, lr  }
0x1b: {  	s9 =	sadd.s32 $0xFFFFFEF7, lr;
	s5 =	simm.s32 $0xFFFFFFFF;
	p2 =	slt.u32 s8, $0xFFFFF086  }
0x1c: {  	p1 =	slt.u32 s9, $0xF7A;
	s5 =	simm.s32 @!p2 $0x0  }
0x1d: {  	s5 =	simm.s32 @p1 $0x1;
	p0 =	seq.s32 s7, s2  }
0x1e: {  	s7 =	smul.u32 @!p0 $0xF7A, s2;
	p2 =	seq.s32 @!p0 s5, $0x0  }
0x1f: {  	s9 =	smul.u32 $0xF7A, s1;
	s8 =	simm.s32 @!p0 $0x1BF5;
	p2 =	por !p2, p0  }
0x20: {  	[sflag:s8] =	ssyncset.s32 @!p0 $0xFFFFF086;
	s6 =	sadd.s32 @!p0 s3, s7;
	s7 =	simm.s32 @!p0 $0x108  }
0x21: {  	s3 =	sadd.s32 s3, s9;
	s6 =	sadd.s32 @!p0 $0x88, s6;
	s7 =	simm.s32 @p2 $0x1082  }
0x22: {  	[simem:s7], [sflag:s8] =	dma.local @!p0 [hbm:s6], $0xF7A  }
0x23: {  	s9 =	sor.u32 $0xD0000000, s2;
	s6 =	simm.s32 $0x108;
	_ =	swait.ge @!p0 [sflag:s8], $0x0  }
0x24: {  	s3 =	sadd.s32 $0x88, s3;
	s6 =	simm.s32 @!p1 $0x1082;
	[sflag:s4] =	ssyncset.s32 $0xFFFFF086  }
0x25: {  	[simem:s6], [sflag:s4] =	dma.local [hbm:s3], $0xF7A  }
0x26: {  	[smem:$0x3F95] =	sst s1;
	(tag) =	ssettag s2;
	_ =	strace s9  }
0x27: {  	s1 =	sld [smem:$0x3FA5]  }
0x28: {  	s2 =	sld [smem:$0x3FA6]  }
0x29: {  	s4 =	sld [smem:$0x3FA8]  }
0x2a: {  	p0 =	seq.s32 s5, $0x0;
	s5 =	sld [smem:$0x3FA9]  }
0x2b: {  	s6 =	sld [smem:$0x3FAA]  }
0x2c: {  	s7 =	sld [smem:$0x3FAB]  }
0x2d: {  	s3 =	simm.s32 $0x108;
	s8 =	sld [smem:$0x3FAC]  }
0x2e: {  	s3 =	simm.s32 @!p0 $0x1082;
	s9 =	sld [smem:$0x3FAD]  }
0x2f: {  	lr =	sadd.s32 s0, s3;
	s0 =	sld [smem:$0x3FA4]  }
0x30: {  	s3 =	sld [smem:$0x3FA7]  }
0x31: {  	[smem:$0x3FB0] =	sst s10  }
0x32: {  	s10 =	sld [smem:$0x3FAE];
	_ =	sdelay $0x3  }
0x33: {  	p0 =	seq.s32 s10, $0x1;
	s10 =	sld [smem:$0x3FB0];
	_ =	sdelay $0x3  }
0x34: {  	[smem:$0x3FB0] =	sst s10  }
0x35: {  	s10 =	sld [smem:$0x3FAF];
	_ =	sdelay $0x3  }
0x36: {  	p1 =	seq.s32 s10, $0x1;
	s10 =	sld [smem:$0x3FB0];
	_ =	sdelay $0x3  }
0x37: {  	[smem:$0x3FB0] =	sst s10  }
0x38: {  	s10 =	sld [smem:$0x3FB1]  }
0x39: {  	_ = 	snop;
	(pc) =	sbr.ind lr, $3  }
0x3a: {  	_ = 	snop  }
0x3b: {  	_ = 	snop  }
0x3c: {  	p2 =	seq.s32 s10, $0x1;
	s10 =	sld [smem:$0x3FB0]  }
0x3d: {  	_ =	shalt  }
0x3e: {  	_ =	shalt  }
0x3f: {  	_ =	shalt  }
0x40: {  	_ =	shalt  }
0x41: {  	_ =	shalt  }
0x42: {  	_ =	shalt  }
0x43: {  	_ =	shalt  }
0x44: {  	_ =	shalt  }
0x45: {  	_ =	shalt  }
0x46: {  	_ =	shalt  }
0x47: {  	_ =	shalt  }
0x48: {  	_ =	shalt  }
0x49: {  	_ =	shalt  }
0x4a: {  	_ =	shalt  }
0x4b: {  	_ =	shalt  }
0x4c: {  	_ =	shalt  }
0x4d: {  	_ =	shalt  }
0x4e: {  	_ =	shalt  }
0x4f: {  	_ =	shalt  }
0x50: {  	_ =	shalt  }
0x51: {  	_ =	shalt  }
0x52: {  	_ =	shalt  }
0x53: {  	_ =	shalt  }
0x54: {  	_ =	shalt  }
0x55: {  	_ =	shalt  }
0x56: {  	_ =	shalt  }
0x57: {  	_ =	shalt  }
0x58: {  	_ =	shalt  }
0x59: {  	_ =	shalt  }
0x5a: {  	_ =	shalt  }
0x5b: {  	_ =	shalt  }
0x5c: {  	_ =	shalt  }
0x5d: {  	_ =	shalt  }
0x5e: {  	_ =	shalt  }
0x5f: {  	_ =	shalt  }
0x60: {  	_ =	shalt  }
0x61: {  	_ =	shalt  }
0x62: {  	_ =	shalt  }
0x63: {  	_ =	shalt  }
0x64: {  	_ =	shalt  }
0x65: {  	_ =	shalt  }
0x66: {  	_ =	shalt  }
0x67: {  	_ =	shalt  }
0x68: {  	_ =	shalt  }
0x69: {  	_ =	shalt  }
0x6a: {  	_ =	shalt  }
0x6b: {  	_ =	shalt  }
0x6c: {  	_ =	shalt  }
0x6d: {  	_ =	shalt  }
0x6e: {  	_ =	shalt  }
0x6f: {  	_ =	shalt  }
0x70: {  	_ =	shalt  }
0x71: {  	_ =	shalt  }
0x72: {  	_ =	shalt  }
0x73: {  	_ =	shalt  }
0x74: {  	_ =	shalt  }
0x75: {  	_ =	shalt  }
0x76: {  	_ =	shalt  }
0x77: {  	_ =	shalt  }
0x78: {  	_ =	shalt  }
0x79: {  	_ =	shalt  }
0x7a: {  	_ =	shalt  }
0x7b: {  	_ =	shalt  }
0x7c: {  	_ =	shalt  }
0x7d: {  	_ =	shalt  }
0x7e: {  	_ =	shalt  }
0x7f: {  	_ =	shalt  }
0x80: {  	_ =	shalt  }
0x81: {  	_ =	shalt  }
0x82: {  	_ =	shalt  }
0x83: {  	_ =	shalt  }
0x84: {  	_ =	shalt  }
0x85: {  	_ =	shalt  }
0x86: {  	_ =	shalt  }
0x87: {  	_ =	shalt  }
.Lfunc_end0:
.L_simem_size_0:
called_computation.3_lowered:
.L_overlay_start_0:
0x88: {  	s2 =	sld [smem:$0x3FD9]  }
0x89: {  	s3 =	sld [smem:$0x3FFE];
	_ =	sdelay $0x1  }
0x8a: {  	s1 =	srdreg.scid  }
0x8b: {  	s0 =	sand.u32 $0x1, s1  }
0x8c: {  	s17 =	sshll.u32 s0, $0xA;
	s2 =	sadd.s32 s3, s2  }
0x8d: {  	s2 =	sadd.s32 s2, s17  }
0x8e: {  	[smem:$0x3FBC] =	sst s2  }
0x8f: {  	_ = 	snop  }
0x90: {  	s2 =	sld [smem:$0x3FD0];
	(tm) =	ssettm $0x1  }
0x91: {  	s18 =	sld [smem:$0x3FFB];
	_ =	sdelay $0x3  }
0x92: {  	_ =	strace s18  }
0x93: {  	s3 =	sld [smem:$0x3FFC];
	_ =	sdelay $0x3  }
0x94: {  	_ =	strace s3  }
0x95: {  	s3 =	sld [smem:$0x3FFD];
	_ =	sdelay $0x3  }
0x96: {  	_ =	strace s3  }
0x97: {  	_ =	strace $0x8FFFFFFF  }
0x98: {  	s19 =	sld [smem:$0x3FDB];
	_ =	sdelay $0x1  }
0x99: {  	s4 =	simm.s32 $_scs_section_size  }
0x9a: {  	s5 =	simm.s32 $_size__tile_overlayer_lowered;
	s6 =	simm.s32 $_tile_overlayer_lowered  }
0x9b: {  	s22 =	simm.s32 $0x1BFF;
	s21 =	sshll.u32 s6, $0x1;
	s3 =	sadd.s32 s4, s19  }
0x9c: {  	s7 =	simm.s32 $0x0;
	s20 =	sshll.u32 s5, $0x1;
	s5 =	sadd.s32 s21, s3  }
0x9d: {  	[timem:s7], [sflag:s22] =	dma.local [hbm:s5], s20  }
0x9e: {  	_ =	swait.ge [sflag:s22], s20  }
0x9f: {  	s4 =	ssub.s32 $0x0, s20;
	[sflag:s22] =	ssyncset.done $0x0  }
0xa0: {  	[sflag:s22] =	ssyncadd.s32 s4;
	_ =	sdelay $0x1  }
0xa1: {  	s23 =	simm.s32 $0x1B8B  }
0xa2: {  	_ =	swait.ge [sflag:s23], $0x1  }
0xa3: {  	[sflag:s23] =	ssyncset.done $0x0  }
0xa4: {  	s25 =	simm.s32 $0x1B8E;
	s24 =	sld [smem:$0x3FFE];
	[sflag:s23] =	ssyncadd.s32 $0xFFFFFFFF  }
0xa5: {  	s26 =	simm.s32 $execute0_lowered;
	[smem:$0x3FD2] =	sst s25  }
0xa6: {  	s5 =	sshll.u32 s26, $0x1;
	_ =	strace $0x8000004C;
	[dreg:$0x1] =	wrdreg $0xFFFFFFFF  }
0xa7: {  	s28 =	simm.s32 $_size_execute0_lowered;
	s3 =	sadd.s32 s3, s5;
	[dreg:$0x0] =	wrdreg $0x0  }
0xa8: {  	s5 =	sshll.u32 s28, $0x1;
	[dreg:$0x2] =	wrdreg s3  }
0xa9: {  	[dreg:$0x3] =	wrdreg s5  }
0xaa: {  	[dreg:$0x4] =	wrdreg $0xC0  }
0xab: {  	_ =	task [dreg:s7], $0x5FFFF  }
0xac: {  	[dreg:$0x1] =	wrdreg $0xFFFFFFFF  }
0xad: {  	[dreg:$0x0] =	wrdreg $0x60  }
0xae: {  	[dreg:$0x2] =	wrdreg s2  }
0xaf: {  	[dreg:$0x3] =	wrdreg s24  }
0xb0: {  	[dreg:$0x4] =	wrdreg $0x9  }
0xb1: {  	_ =	task.clear_ibuf [dreg:s7], $0x5FFFF;
	_ =	strace $0x9000004C  }
0xb2: {  	s29 =	simm.s32 $0x9;
	_ =	strace $0x8000004E  }
0xb3: {  	_ =	swait.ge [sflag:s29], $0x1  }
0xb4: {  	[sflag:s29] =	ssyncadd.s32 $0xFFFFFFFF  }
0xb5: {  	_ =	strace $0x9000004E  }
0xb6: {  	_ =	sfence  }
0xb7: {  	s30 =	sld [smem:$0x0];
	_ =	sdelay $0x2  }
0xb8: {  	s31 =	sshll.u32 s1, $0xD;
	s1 =	sshrl.u32 s1, $0x2  }
0xb9: {  	s3 =	sand.u32 $0x4000, s31;
	s1 =	sadd.s32 s1, s30  }
0xba: {  	s0 =	sor.u32 s3, s0;
	s1 =	sshll.u32 s1, $0x11  }
0xbb: {  	s0 =	sor.u32 s1, s0  }
0xbc: {  	s0 =	sadd.s32 $0x8F2B, s0  }
0xbd: {  	[sflag:s0] =	ssyncadd.remote.s32 $0x1  }
0xbe: {  	_ =	sfence.sel $0xFFFF  }
0xbf: {  	[dreg:$0x0] =	wrdreg $0xFFFFFFFF;
	(pc) =	sbr.abs _section_cstart, $3  }
0xc0: {  	[dreg:$0x1] =	wrdreg $0xFFFFFFFF  }
0xc1: {  	_ =	task.clear_ibuf [dreg:s7], $0x2FFFF;
	_ =	strace $0x9FFFFFFF  }
0xc2: {  	(tm) =	ssettm $0x7FFFFFFF  }
0xc3: {  	_ =	shalt  }
tec
execute0_lowered:
.L_overlay_start_1:
0x0: {  	(tag) =	ssettag $0x1  }
0x1: {  	s2 =	rddreg [dreg:$0x0]  }
0x2: {  	s8 =	rddreg [dreg:$0x1]  }
0x3: {  	s0 =	rddreg [dreg:$0x2];
	s4 =	srdreg.scid  }
0x4: {  	s1 =	stileid.u32;
	s3 =	simm.s32 $0x0;
	s13 =	simm.s32 $0x2  }
0x5: {  	s14 =	simm.s32 $0x80;
	s15 =	simm.s32 $0x100;
	s16 =	simm.s32 $0x1  }
0x6: {  	s17 =	simm.s32 $0x2100;
	s18 =	simm.s32 $0x4100;
	s19 =	simm.s32 $0x4110  }
0x7: {  	s20 =	simm.s32 $0x10;
	s21 =	simm.s32 $0x4120;
	s22 =	simm.s32 $0x4520  }
0x8: {  	s23 =	simm.s32 $0x0;
	s9 =	sand.u32 $0x1, s4;
	s30 =	sshll.u32 s1, $0x1  }
0x9: {  	[smem:$0x7FF] =	sst s3;
	s4 =	sadd.s32 $0x16800, s8;
	s5 =	sor.u32 s9, s30  }
0xa: {  	s6 =	sadd.s32 $0xCA00, s8;
	s9 =	ssub.s32 $0x2, s9;
	s5 =	smul.u32 $0x2710, s5  }
0xb: {  	s7 =	sadd.s32 $0x2C00, s8;
	s8 =	sadd.s32 $0x2A200, s8;
	s10 =	sshrl.u32 s9, $0x1  }
0xc: {  	_ =	strace $0x8000004D;
	s12 =	ssub.s32 s9, s10;
	s11 =	sadd.s32 $0x2700, s5  }
0xd: {  	s12 =	smax.u32 s12, $0x1;
	s31 =	sshrl.u32 s11, $0x3;
	s11 =	sshll.u32 s11, $0x3  }
0xe: {  	s9 =	sadd.s32 s6, s31;
	s10 =	sadd.s32 s7, s31;
	s11 =	sadd.s32 s8, s11  }
.LBB2_1:
0xf: {  	s24 =	simm.s32 $0x0  }
.LBB2_2:
0x10: {  	s25 =	sshll.u32 s24, $0x7  }
0x11: {  	s25 =	sadd.s32 s5, s25  }
0x12: {  	s26 =	sshrl.u32 s25, $0x3  }
0x13: {  	s29 =	simm.s32 $0x0;
	s28 =	sadd.s32 s6, s26  }
0x14: {  	[tilespmem:s29], [sflag:$0x2] =	stream.linear.gather [hbm4b:s28+s29], $0x80, $0x38;
	[tilespmem:$0x4920] =	vst v63  }
0x15: {  	_ =	swait.ge [sflag:s13], $0x80  }
0x16: {  	[sflag:s13] =	ssyncset.done $0x0  }
0x17: {  	s26 =	sadd.s32 s7, s26;
	[sflag:s13] =	ssyncadd.s32 $0xFFFFFF80  }
0x18: {  	[tilespmem:s14], [sflag:$0x2] =	stream.linear.gather [hbm4b:s26+s29], $0x80, $0x38;
	[tilespmem:$0x4920] =	vst v63  }
0x19: {  	_ =	swait.ge [sflag:s13], $0x80  }
0x1a: {  	[sflag:s13] =	ssyncset.done $0x0  }
0x1b: {  	[sflag:s13] =	ssyncadd.s32 $0xFFFFFF80  }
0x1c: {  	[tilespmem:s15], [sflag:$0x1] =	stream.indirect.gather [hbm4b:s2+s14], $0x40, s29, s14, $0xb8;
	[tilespmem:$0x4920] =	vst v63  }
0x1d: {  	_ =	swait.ge [sflag:s16], $0x2000  }
0x1e: {  	[sflag:s16] =	ssyncset.done $0x0  }
0x1f: {  	[sflag:s16] =	ssyncadd.s32 $0xFFFFE000  }
0x20: {  	[tilespmem:s17], [sflag:$0x1] =	stream.indirect.gather [hbm4b:s4+s14], $0x40, s14, s14, $0xb8;
	[tilespmem:$0x4920] =	vst v63  }
0x21: {  	_ =	swait.ge [sflag:s16], $0x2000  }
0x22: {  	[sflag:s16] =	ssyncset.done $0x0  }
0x23: {  	s26 =	simm.s32 $0x0;
	[sflag:s16] =	ssyncadd.s32 $0xFFFFE000  }
0x24: {  	v5 =	vld [tilespmem:s26+$0x2100]  }
0x25: {  	v6 =	vld [tilespmem:s26+$0x2110]  }
0x26: {  	v1 =	vld [tilespmem:s26+$0x2120]  }
0x27: {  	v0 =	vld [tilespmem:s26+$0x2130]  }
0x28: {  	v2 =	vld [tilespmem:s26+$0x100]  }
0x29: {  	v4 =	vld [tilespmem:s26+$0x110]  }
0x2a: {  	s28 =	simm.s32 $0x100;
	v3 =	vld [tilespmem:s26+$0x120]  }
.LBB2_3:
0x2b: {  	s29 =	sshra.s32 s28, $0x2;
	p0 =	sne.s32 s28, $0x7F00;
	v7 =	vld [tilespmem:s26+$0x130];
	v8 =	vmov v1  }
0x2c: {  	v9 =	vld [tilespmem:s29+$0x2100];
	v10 =	vmov v0  }
0x2d: {  	v11 =	vld [tilespmem:s29+$0x2110];
	v2 =	vadd.f32 v5, v2  }
.Ltmp0:
0x2e: {  	v1 =	vld [tilespmem:s29+$0x2120];
	v4 =	vadd.f32 v6, v4;
	(pc) =	sbr.rel @p0 .LBB2_3-.Ltmp0, $4  }
0x2f: {  	v0 =	vld [tilespmem:s29+$0x2130];
	[tilespmem:s26+$0x100] =	vst v2;
	v3 =	vadd.f32 v8, v3  }
0x30: {  	v2 =	vld [tilespmem:s29+$0x100];
	[tilespmem:s26+$0x110] =	vst v4;
	v7 =	vadd.f32 v10, v7  }
0x31: {  	v4 =	vld [tilespmem:s29+$0x110];
	[tilespmem:s26+$0x120] =	vst v3;
	v5 =	vmov v9  }
0x32: {  	s28 =	sadd.s32 $0x100, s28;
	v3 =	vld [tilespmem:s29+$0x120];
	[tilespmem:s26+$0x130] =	vst v7;
	v6 =	vmov v11;
	s26 =	smov.u32 s29  }
0x33: {  	v7 =	vld [tilespmem:s26+$0x130];
	_ =	sdelay $0x1  }
0x34: {  	v2 =	vadd.f32 v5, v2  }
0x35: {  	v4 =	vadd.f32 v6, v4  }
0x36: {  	[tilespmem:s26+$0x100] =	vst v2;
	v1 =	vadd.f32 v1, v3  }
0x37: {  	s24 =	sadd.s32 $0x1, s24;
	[tilespmem:s26+$0x110] =	vst v4;
	v0 =	vadd.f32 v0, v7  }
0x38: {  	s25 =	sshll.u32 s25, $0x3;
	p0 =	sne.s32 s24, $0x4E;
	[tilespmem:s26+$0x120] =	vst v1  }
.Ltmp1:
0x39: {  	s25 =	sadd.s32 s8, s25;
	[tilespmem:s26+$0x130] =	vst v0;
	(pc) =	sbr.rel @p0 .LBB2_2-.Ltmp1, $4  }
0x3a: {  	[hbm4b:s25+s3] =	stream.linear.scatter [tilespmem:s15], [sflag:$0x2], $0x2000, $0x38;
	[tilespmem:$0x4920] =	vst v63  }
0x3b: {  	_ =	swait.ge [sflag:s13], $0x2000  }
0x3c: {  	[sflag:s13] =	ssyncset.done $0x0  }
0x3d: {  	[sflag:s13] =	ssyncadd.s32 $0xFFFFE000  }
0x3e: {  	s24 =	simm.s32 $0x0  }
0x3f: {  	[tilespmem:s18], [sflag:$0x2] =	stream.linear.gather [hbm4b:s9+s24], $0x10, $0x38;
	[tilespmem:$0x4920] =	vst v63  }
0x40: {  	_ =	swait.ge [sflag:s13], $0x10  }
0x41: {  	[sflag:s13] =	ssyncset.done $0x0  }
0x42: {  	[sflag:s13] =	ssyncadd.s32 $0xFFFFFFF0  }
0x43: {  	[tilespmem:s19], [sflag:$0x2] =	stream.linear.gather [hbm4b:s10+s24], $0x10, $0x38;
	[tilespmem:$0x4920] =	vst v63  }
0x44: {  	_ =	swait.ge [sflag:s13], $0x10  }
0x45: {  	[sflag:s13] =	ssyncset.done $0x0  }
0x46: {  	[sflag:s13] =	ssyncadd.s32 $0xFFFFFFF0  }
0x47: {  	[tilespmem:s21], [sflag:$0x1] =	stream.indirect.gather [hbm4b:s2+s20], $0x40, s18, s20, $0xb8;
	[tilespmem:$0x4920] =	vst v63  }
0x48: {  	_ =	swait.ge [sflag:s16], $0x400  }
0x49: {  	[sflag:s16] =	ssyncset.done $0x0  }
0x4a: {  	[sflag:s16] =	ssyncadd.s32 $0xFFFFFC00  }
0x4b: {  	[tilespmem:s22], [sflag:$0x1] =	stream.indirect.gather [hbm4b:s4+s20], $0x40, s19, s20, $0xb8;
	[tilespmem:$0x4920] =	vst v63  }
0x4c: {  	_ =	swait.ge [sflag:s16], $0x400  }
0x4d: {  	[sflag:s16] =	ssyncset.done $0x0  }
0x4e: {  	s24 =	simm.s32 $0x0;
	[sflag:s16] =	ssyncadd.s32 $0xFFFFFC00  }
0x4f: {  	v5 =	vld [tilespmem:s24+$0x4520]  }
0x50: {  	v6 =	vld [tilespmem:s24+$0x4530]  }
0x51: {  	v1 =	vld [tilespmem:s24+$0x4540]  }
0x52: {  	v0 =	vld [tilespmem:s24+$0x4550]  }
0x53: {  	v2 =	vld [tilespmem:s24+$0x4120]  }
0x54: {  	v4 =	vld [tilespmem:s24+$0x4130]  }
0x55: {  	s25 =	simm.s32 $0x100;
	v3 =	vld [tilespmem:s24+$0x4140]  }
.LBB2_6:
0x56: {  	s26 =	sshra.s32 s25, $0x2;
	p0 =	sne.s32 s25, $0xF00;
	v7 =	vld [tilespmem:s24+$0x4150];
	v8 =	vmov v1  }
0x57: {  	v9 =	vld [tilespmem:s26+$0x4520];
	v10 =	vmov v0  }
0x58: {  	v11 =	vld [tilespmem:s26+$0x4530];
	v2 =	vadd.f32 v5, v2  }
.Ltmp2:
0x59: {  	v1 =	vld [tilespmem:s26+$0x4540];
	v4 =	vadd.f32 v6, v4;
	(pc) =	sbr.rel @p0 .LBB2_6-.Ltmp2, $4  }
0x5a: {  	v0 =	vld [tilespmem:s26+$0x4550];
	[tilespmem:s24+$0x4120] =	vst v2;
	v3 =	vadd.f32 v8, v3  }
0x5b: {  	v2 =	vld [tilespmem:s26+$0x4120];
	[tilespmem:s24+$0x4130] =	vst v4;
	v7 =	vadd.f32 v10, v7  }
0x5c: {  	v4 =	vld [tilespmem:s26+$0x4130];
	[tilespmem:s24+$0x4140] =	vst v3;
	v5 =	vmov v9  }
0x5d: {  	s25 =	sadd.s32 $0x100, s25;
	v3 =	vld [tilespmem:s26+$0x4140];
	[tilespmem:s24+$0x4150] =	vst v7;
	v6 =	vmov v11;
	s24 =	smov.u32 s26  }
0x5e: {  	v7 =	vld [tilespmem:s24+$0x4150];
	_ =	sdelay $0x1  }
0x5f: {  	v2 =	vadd.f32 v5, v2  }
0x60: {  	v4 =	vadd.f32 v6, v4  }
0x61: {  	[tilespmem:s24+$0x4120] =	vst v2;
	v1 =	vadd.f32 v1, v3  }
0x62: {  	s23 =	sadd.s32 $0x1, s23;
	[tilespmem:s24+$0x4130] =	vst v4;
	v0 =	vadd.f32 v0, v7  }
0x63: {  	p0 =	sne.s32 s23, s12;
	[tilespmem:s24+$0x4140] =	vst v1  }
.Ltmp3:
0x64: {  	[tilespmem:s24+$0x4150] =	vst v0;
	(pc) =	sbr.rel @p0 .LBB2_1-.Ltmp3, $4  }
0x65: {  	[hbm4b:s11+s3] =	stream.linear.scatter [tilespmem:s21], [sflag:$0x2], $0x400, $0x38;
	[tilespmem:$0x4920] =	vst v63  }
0x66: {  	_ =	swait.ge [sflag:s13], $0x400  }
0x67: {  	[sflag:s13] =	ssyncset.done $0x0  }
0x68: {  	[sflag:s13] =	ssyncadd.s32 $0xFFFFFC00  }
0x69: {  	_ =	sfence.sel $0x180000  }
0x6a: {  	[bflag:$0x0] =	sbarrier.arrive $0xFFFF  }
0x6b: {  	p0 =	sne.s32 s1, $0x0;
	_ =	strace $0x9000004D  }
0x6c: {  	s0 =	sadd.s32 @!p0 $0x100000, s0;
	[bflag:$0x2] =	sbarrier.arrive $0xFFFF  }
0x6d: {  	[sflag:s0] =	ssyncadd.tile.s32 @!p0 $0x1;
	_ =	shalt  }
.Lfunc_end2:
_tile_overlayer_lowered:
.L_overlay_start_2:
0x6e: {  	(tag) =	ssettag $0x2  }
0x6f: {  	s0 =	rddreg [dreg:$0x0];
	s2 =	stileid.u32  }
0x70: {  	s1 =	rddreg [dreg:$0x1];
	p0 =	sne.s32 s2, $0x0  }
0x71: {  	s3 =	rddreg [dreg:$0x2];
	[bflag:$0x3] =	sbarrier.arrive $0xFFFF;
	s2 =	simm.s32 @!p0 $0x1C02  }
0x72: {  	[timem:s3], [sflag:s2] =	dma.local @!p0 [hbm:s0], s1  }
0x73: {  	s0 =	simm.s32 @!p0 $0x2  }
0x74: {  	_ =	swait.ge @!p0 [sflag:s0], s1  }
0x75: {  	s1 =	ssub.s32 @!p0 $0x0, s1;
	[sflag:s0] =	ssyncset.done @!p0 $0x0  }
0x76: {  	[sflag:s0] =	ssyncadd.s32 @!p0 s1  }
0x77: {  	[bflag:$0x3] =	sbarrier.arrive $0xFFFF  }
0x78: {  	_ =	shalt  }

// kernel: kernel.8.cloned.1.call-start
scs
__scs_entry_jumppad:
0x0: {  	(pc) =	sbr.rel $0x88, $3  }
0x1: {  	(tag) =	ssettag $0x0;
	lr =	simm.s32 $0x1  }
0x2: {  	[smem:$0x3F95] =	sst lr;
	_ =	strace $0xD0000000  }
0x3: {  	_ = 	snop  }
0x4: {  	_ = 	snop  }
0x5: {  	_ = 	snop  }
0x6: {  	_ = 	snop  }
0x7: {  	_ = 	snop  }
__scs_overlays_trampoline_lowered:
0x8: {  	[smem:$0x3FA4] =	sst s0  }
0x9: {  	[smem:$0x3FA5] =	sst s1  }
0xa: {  	[smem:$0x3FA6] =	sst s2  }
0xb: {  	[smem:$0x3FA7] =	sst s3  }
0xc: {  	[smem:$0x3FA8] =	sst s4  }
0xd: {  	[smem:$0x3FA9] =	sst s5  }
0xe: {  	[smem:$0x3FAA] =	sst s6  }
0xf: {  	[smem:$0x3FAB] =	sst s7  }
0x10: {  	[smem:$0x3FAC] =	sst s8  }
0x11: {  	[smem:$0x3FAD] =	sst s9;
	s0 =	simm.s32 @!p0 $0x0  }
0x12: {  	s1 =	sld [smem:$0x3F93];
	s0 =	simm.s32 @p0 $0x1  }
0x13: {  	[smem:$0x3FAE] =	sst s0;
	s0 =	simm.s32 @!p1 $0x0  }
0x14: {  	s2 =	sld [smem:$0x3F92];
	s0 =	simm.s32 @p1 $0x1  }
0x15: {  	[smem:$0x3FAF] =	sst s0;
	s0 =	simm.s32 @!p2 $0x0  }
0x16: {  	s3 =	sld [smem:$0x3FDB];
	s0 =	simm.s32 @p2 $0x1  }
0x17: {  	s4 =	simm.s32 $0x1BF5;
	[smem:$0x3FB1] =	sst s0  }
0x18: {  	s0 =	sld [smem:$0x3F94];
	_ =	swait.ge [sflag:s4], $0x0  }
0x19: {  	s7 =	sld [smem:$0x3F95]  }
0x1a: {  	s8 =	sadd.s32 $0xFFFFE003, lr  }
0x1b: {  	s9 =	sadd.s32 $0xFFFFFEF7, lr;
	s5 =	simm.s32 $0xFFFFFFFF;
	p2 =	slt.u32 s8, $0xFFFFF086  }
0x1c: {  	p1 =	slt.u32 s9, $0xF7A;
	s5 =	simm.s32 @!p2 $0x0  }
0x1d: {  	s5 =	simm.s32 @p1 $0x1;
	p0 =	seq.s32 s7, s2  }
0x1e: {  	s7 =	smul.u32 @!p0 $0xF7A, s2;
	p2 =	seq.s32 @!p0 s5, $0x0  }
0x1f: {  	s9 =	smul.u32 $0xF7A, s1;
	s8 =	simm.s32 @!p0 $0x1BF5;
	p2 =	por !p2, p0  }
0x20: {  	[sflag:s8] =	ssyncset.s32 @!p0 $0xFFFFF086;
	s6 =	sadd.s32 @!p0 s3, s7;
	s7 =	simm.s32 @!p0 $0x108  }
0x21: {  	s3 =	sadd.s32 s3, s9;
	s6 =	sadd.s32 @!p0 $0x88, s6;
	s7 =	simm.s32 @p2 $0x1082  }
0x22: {  	[simem:s7], [sflag:s8] =	dma.local @!p0 [hbm:s6], $0xF7A  }
0x23: {  	s9 =	sor.u32 $0xD0000000, s2;
	s6 =	simm.s32 $0x108;
	_ =	swait.ge @!p0 [sflag:s8], $0x0  }
0x24: {  	s3 =	sadd.s32 $0x88, s3;
	s6 =	simm.s32 @!p1 $0x1082;
	[sflag:s4] =	ssyncset.s32 $0xFFFFF086  }
0x25: {  	[simem:s6], [sflag:s4] =	dma.local [hbm:s3], $0xF7A  }
0x26: {  	[smem:$0x3F95] =	sst s1;
	(tag) =	ssettag s2;
	_ =	strace s9  }
0x27: {  	s1 =	sld [smem:$0x3FA5]  }
0x28: {  	s2 =	sld [smem:$0x3FA6]  }
0x29: {  	s4 =	sld [smem:$0x3FA8]  }
0x2a: {  	p0 =	seq.s32 s5, $0x0;
	s5 =	sld [smem:$0x3FA9]  }
0x2b: {  	s6 =	sld [smem:$0x3FAA]  }
0x2c: {  	s7 =	sld [smem:$0x3FAB]  }
0x2d: {  	s3 =	simm.s32 $0x108;
	s8 =	sld [smem:$0x3FAC]  }
0x2e: {  	s3 =	simm.s32 @!p0 $0x1082;
	s9 =	sld [smem:$0x3FAD]  }
0x2f: {  	lr =	sadd.s32 s0, s3;
	s0 =	sld [smem:$0x3FA4]  }
0x30: {  	s3 =	sld [smem:$0x3FA7]  }
0x31: {  	[smem:$0x3FB0] =	sst s10  }
0x32: {  	s10 =	sld [smem:$0x3FAE];
	_ =	sdelay $0x3  }
0x33: {  	p0 =	seq.s32 s10, $0x1;
	s10 =	sld [smem:$0x3FB0];
	_ =	sdelay $0x3  }
0x34: {  	[smem:$0x3FB0] =	sst s10  }
0x35: {  	s10 =	sld [smem:$0x3FAF];
	_ =	sdelay $0x3  }
0x36: {  	p1 =	seq.s32 s10, $0x1;
	s10 =	sld [smem:$0x3FB0];
	_ =	sdelay $0x3  }
0x37: {  	[smem:$0x3FB0] =	sst s10  }
0x38: {  	s10 =	sld [smem:$0x3FB1]  }
0x39: {  	_ = 	snop;
	(pc) =	sbr.ind lr, $3  }
0x3a: {  	_ = 	snop  }
0x3b: {  	_ = 	snop  }
0x3c: {  	p2 =	seq.s32 s10, $0x1;
	s10 =	sld [smem:$0x3FB0]  }
0x3d: {  	_ =	shalt  }
0x3e: {  	_ =	shalt  }
0x3f: {  	_ =	shalt  }
0x40: {  	_ =	shalt  }
0x41: {  	_ =	shalt  }
0x42: {  	_ =	shalt  }
0x43: {  	_ =	shalt  }
0x44: {  	_ =	shalt  }
0x45: {  	_ =	shalt  }
0x46: {  	_ =	shalt  }
0x47: {  	_ =	shalt  }
0x48: {  	_ =	shalt  }
0x49: {  	_ =	shalt  }
0x4a: {  	_ =	shalt  }
0x4b: {  	_ =	shalt  }
0x4c: {  	_ =	shalt  }
0x4d: {  	_ =	shalt  }
0x4e: {  	_ =	shalt  }
0x4f: {  	_ =	shalt  }
0x50: {  	_ =	shalt  }
0x51: {  	_ =	shalt  }
0x52: {  	_ =	shalt  }
0x53: {  	_ =	shalt  }
0x54: {  	_ =	shalt  }
0x55: {  	_ =	shalt  }
0x56: {  	_ =	shalt  }
0x57: {  	_ =	shalt  }
0x58: {  	_ =	shalt  }
0x59: {  	_ =	shalt  }
0x5a: {  	_ =	shalt  }
0x5b: {  	_ =	shalt  }
0x5c: {  	_ =	shalt  }
0x5d: {  	_ =	shalt  }
0x5e: {  	_ =	shalt  }
0x5f: {  	_ =	shalt  }
0x60: {  	_ =	shalt  }
0x61: {  	_ =	shalt  }
0x62: {  	_ =	shalt  }
0x63: {  	_ =	shalt  }
0x64: {  	_ =	shalt  }
0x65: {  	_ =	shalt  }
0x66: {  	_ =	shalt  }
0x67: {  	_ =	shalt  }
0x68: {  	_ =	shalt  }
0x69: {  	_ =	shalt  }
0x6a: {  	_ =	shalt  }
0x6b: {  	_ =	shalt  }
0x6c: {  	_ =	shalt  }
0x6d: {  	_ =	shalt  }
0x6e: {  	_ =	shalt  }
0x6f: {  	_ =	shalt  }
0x70: {  	_ =	shalt  }
0x71: {  	_ =	shalt  }
0x72: {  	_ =	shalt  }
0x73: {  	_ =	shalt  }
0x74: {  	_ =	shalt  }
0x75: {  	_ =	shalt  }
0x76: {  	_ =	shalt  }
0x77: {  	_ =	shalt  }
0x78: {  	_ =	shalt  }
0x79: {  	_ =	shalt  }
0x7a: {  	_ =	shalt  }
0x7b: {  	_ =	shalt  }
0x7c: {  	_ =	shalt  }
0x7d: {  	_ =	shalt  }
0x7e: {  	_ =	shalt  }
0x7f: {  	_ =	shalt  }
0x80: {  	_ =	shalt  }
0x81: {  	_ =	shalt  }
0x82: {  	_ =	shalt  }
0x83: {  	_ =	shalt  }
0x84: {  	_ =	shalt  }
0x85: {  	_ =	shalt  }
0x86: {  	_ =	shalt  }
0x87: {  	_ =	shalt  }
.Lfunc_end0:
.L_simem_size_0:
called_computation.1_lowered:
.L_overlay_start_0:
0x88: {  	s2 =	sld [smem:$0x3FD9]  }
0x89: {  	s3 =	sld [smem:$0x3FFE];
	_ =	sdelay $0x1  }
0x8a: {  	s1 =	srdreg.scid  }
0x8b: {  	s0 =	sand.u32 $0x1, s1  }
0x8c: {  	s17 =	sshll.u32 s0, $0xA;
	s2 =	sadd.s32 s3, s2  }
0x8d: {  	s2 =	sadd.s32 s2, s17  }
0x8e: {  	[smem:$0x3FBC] =	sst s2  }
0x8f: {  	_ = 	snop  }
0x90: {  	s2 =	sld [smem:$0x3FD0];
	(tm) =	ssettm $0x1  }
0x91: {  	s18 =	sld [smem:$0x3FFB];
	_ =	sdelay $0x3  }
0x92: {  	_ =	strace s18  }
0x93: {  	s3 =	sld [smem:$0x3FFC];
	_ =	sdelay $0x3  }
0x94: {  	_ =	strace s3  }
0x95: {  	s3 =	sld [smem:$0x3FFD];
	_ =	sdelay $0x3  }
0x96: {  	_ =	strace s3  }
0x97: {  	_ =	strace $0x8FFFFFFF  }
0x98: {  	s19 =	sld [smem:$0x3FDB];
	_ =	sdelay $0x1  }
0x99: {  	s4 =	simm.s32 $_scs_section_size  }
0x9a: {  	s5 =	simm.s32 $_size__tile_overlayer_lowered;
	s6 =	simm.s32 $_tile_overlayer_lowered  }
0x9b: {  	s22 =	simm.s32 $0x1BFF;
	s21 =	sshll.u32 s6, $0x1;
	s3 =	sadd.s32 s4, s19  }
0x9c: {  	s7 =	simm.s32 $0x0;
	s20 =	sshll.u32 s5, $0x1;
	s5 =	sadd.s32 s21, s3  }
0x9d: {  	[timem:s7], [sflag:s22] =	dma.local [hbm:s5], s20  }
0x9e: {  	_ =	swait.ge [sflag:s22], s20  }
0x9f: {  	s4 =	ssub.s32 $0x0, s20;
	[sflag:s22] =	ssyncset.done $0x0  }
0xa0: {  	[sflag:s22] =	ssyncadd.s32 s4;
	_ =	sdelay $0x1  }
0xa1: {  	s23 =	simm.s32 $0x1B8B  }
0xa2: {  	_ =	swait.ge [sflag:s23], $0x1  }
0xa3: {  	[sflag:s23] =	ssyncset.done $0x0  }
0xa4: {  	s25 =	simm.s32 $0x1B8E;
	s24 =	sld [smem:$0x3FFE];
	[sflag:s23] =	ssyncadd.s32 $0xFFFFFFFF  }
0xa5: {  	s26 =	simm.s32 $execute0_lowered;
	[smem:$0x3FD2] =	sst s25  }
0xa6: {  	s5 =	sshll.u32 s26, $0x1;
	_ =	strace $0x80000046;
	[dreg:$0x1] =	wrdreg $0xFFFFFFFF  }
0xa7: {  	s28 =	simm.s32 $_size_execute0_lowered;
	s3 =	sadd.s32 s3, s5;
	[dreg:$0x0] =	wrdreg $0x0  }
0xa8: {  	s5 =	sshll.u32 s28, $0x1;
	[dreg:$0x2] =	wrdreg s3  }
0xa9: {  	[dreg:$0x3] =	wrdreg s5  }
0xaa: {  	[dreg:$0x4] =	wrdreg $0xC0  }
0xab: {  	_ =	task [dreg:s7], $0x5FFFF  }
0xac: {  	[dreg:$0x1] =	wrdreg $0xFFFFFFFF  }
0xad: {  	[dreg:$0x0] =	wrdreg $0x60  }
0xae: {  	[dreg:$0x2] =	wrdreg s24  }
0xaf: {  	[dreg:$0x3] =	wrdreg s2  }
0xb0: {  	[dreg:$0x4] =	wrdreg $0x4A000  }
0xb1: {  	[dreg:$0x5] =	wrdreg $0x9  }
0xb2: {  	_ =	task.clear_ibuf [dreg:s7], $0x6FFFF;
	_ =	strace $0x90000046  }
0xb3: {  	s29 =	simm.s32 $0x9;
	_ =	strace $0x80000048  }
0xb4: {  	_ =	swait.ge [sflag:s29], $0x1  }
0xb5: {  	[sflag:s29] =	ssyncadd.s32 $0xFFFFFFFF  }
0xb6: {  	_ =	strace $0x90000048  }
0xb7: {  	_ =	sfence  }
0xb8: {  	s30 =	sld [smem:$0x0];
	_ =	sdelay $0x2  }
0xb9: {  	s31 =	sshll.u32 s1, $0xD;
	s1 =	sshrl.u32 s1, $0x2  }
0xba: {  	s3 =	sand.u32 $0x4000, s31;
	s1 =	sadd.s32 s1, s30  }
0xbb: {  	s0 =	sor.u32 s3, s0;
	s1 =	sshll.u32 s1, $0x11  }
0xbc: {  	s0 =	sor.u32 s1, s0  }
0xbd: {  	s0 =	sadd.s32 $0x8F2B, s0  }
0xbe: {  	[sflag:s0] =	ssyncadd.remote.s32 $0x1  }
0xbf: {  	_ =	sfence.sel $0xFFFF  }
0xc0: {  	[dreg:$0x0] =	wrdreg $0xFFFFFFFF;
	(pc) =	sbr.abs _section_cstart, $3  }
0xc1: {  	[dreg:$0x1] =	wrdreg $0xFFFFFFFF  }
0xc2: {  	_ =	task.clear_ibuf [dreg:s7], $0x2FFFF;
	_ =	strace $0x9FFFFFFF  }
0xc3: {  	(tm) =	ssettm $0x7FFFFFFF  }
tec
execute0_lowered:
.L_overlay_start_1:
0x0: {  	(tag) =	ssettag $0x1  }
0x1: {  	s5 =	rddreg [dreg:$0x0]  }
0x2: {  	s9 =	rddreg [dreg:$0x1]  }
0x3: {  	s1 =	rddreg [dreg:$0x2]  }
0x4: {  	s0 =	rddreg [dreg:$0x3];
	s3 =	simm.s32 $0x0;
	s6 =	srdreg.scid  }
0x5: {  	s2 =	stileid.u32;
	s19 =	simm.s32 $0x4180;
	s20 =	simm.s32 $0x10  }
0x6: {  	s21 =	simm.s32 $0x4200;
	s22 =	simm.s32 $0x0;
	[smem:$0x7FF] =	sst s3  }
0x7: {  	s4 =	sadd.s32 $0x16800, s5;
	s6 =	sand.u32 $0x1, s6;
	s8 =	smul.u32 $0x50000, s2  }
0x8: {  	s7 =	sshll.u32 s2, $0x1;
	s12 =	sadd.s32 $0xCA00, s5;
	s28 =	smul.u32 $0x14000, s2  }
0x9: {  	s11 =	sadd.s32 $0x2C00, s5;
	s5 =	sadd.s32 $0x3DA00, s5;
	s16 =	smul.u32 $0x4E20, s2  }
0xa: {  	s29 =	sshll.u32 s2, $0x6;
	_ =	strace $0x80000047;
	s14 =	smul.u32 $0x140000, s6  }
0xb: {  	s7 =	sor.u32 s6, s7;
	s10 =	ssub.s32 $0x2, s6;
	s18 =	smul.u32 $0x2710, s6  }
0xc: {  	s6 =	sor.u32 $0x1C02, s29;
	s13 =	sshrl.u32 s10, $0x1;
	s8 =	sshrl.u32 s8, $0x2  }
0xd: {  	s7 =	smul.u32 $0x2710, s7;
	s10 =	ssub.s32 s10, s13;
	s15 =	sadd.s32 s8, s1  }
0xe: {  	s13 =	sadd.s32 s28, s14;
	s30 =	sadd.s32 s18, s16;
	s14 =	simm.s32 $0x2  }
0xf: {  	s16 =	simm.s32 $0x100;
	s18 =	simm.s32 $0x4100;
	s7 =	sshrl.u32 s7, $0x3  }
0x10: {  	s13 =	sshrl.u32 s13, $0x3;
	s10 =	smax.u32 s10, $0x1;
	s31 =	sshrl.u32 s30, $0x3  }
0x11: {  	s17 =	sadd.s32 $0x4E0, s7;
	s9 =	sadd.s32 s9, s13;
	s13 =	sshrl.u32 s15, $0x3  }
0x12: {  	s15 =	simm.s32 $0x80;
	s7 =	sadd.s32 s12, s17;
	s8 =	sadd.s32 s11, s17  }
0x13: {  	s11 =	sadd.s32 s31, s11;
	s12 =	sadd.s32 s31, s12;
	s17 =	simm.s32 $0x1  }
.LBB2_1:
0x14: {  	[spmem:s13], [sflag:s6] =	dma.local [hbm:s5], $0x2800  }
0x15: {  	_ =	swait.ge [sflag:s14], $0x2800  }
0x16: {  	[sflag:s14] =	ssyncset.done $0x0  }
0x17: {  	[sflag:s14] =	ssyncadd.s32 $0xFFFFD800  }
0x18: {  	s23 =	sadd.s32 $0x0, s12;
	[bflag:$0x0] =	sbarrier.arrive $0xFFFF  }
0x19: {  	[tilespmem:s3], [sflag:$0x2] =	stream.linear.gather [hbm4b:s23+s3], $0x80, $0x38;
	[tilespmem:$0x18A00] =	vst v63  }
0x1a: {  	_ =	swait.ge [sflag:s14], $0x80  }
0x1b: {  	[sflag:s14] =	ssyncset.done $0x0  }
0x1c: {  	s31 =	sadd.s32 $0x0, s11;
	[sflag:s14] =	ssyncadd.s32 $0xFFFFFF80  }
0x1d: {  	[tilespmem:s15], [sflag:$0x2] =	stream.linear.gather [hbm4b:s31+s3], $0x80, $0x38;
	[tilespmem:$0x18A00] =	vst v63  }
0x1e: {  	_ =	swait.ge [sflag:s14], $0x80  }
0x1f: {  	[sflag:s14] =	ssyncset.done $0x0  }
0x20: {  	[sflag:s14] =	ssyncadd.s32 $0xFFFFFF80  }
0x21: {  	[tilespmem:s16], [sflag:$0x1] =	stream.indirect.gather [hbm4b:s4+s15], $0x80, s3, s15, $0xb8;
	[tilespmem:$0x18A00] =	vst v63  }
0x22: {  	_ =	swait.ge [sflag:s17], $0x4000  }
0x23: {  	[sflag:s17] =	ssyncset.done $0x0  }
0x24: {  	[sflag:s17] =	ssyncadd.s32 $0xFFFFC000  }
0x25: {  	[spmem:s1] =	stream.indirect.scatter.add.f32 [tilespmem:s16], [sflag:$0x2], $0x80, s15, s15, $0xb8;
	[tilespmem:$0x18A00] =	vst v63  }
0x26: {  	_ =	swait.ge [sflag:s14], $0x4000  }
0x27: {  	s24 =	simm.s32 $0x20;
	s23 =	simm.s32 $0x10;
	[sflag:s14] =	ssyncset.done $0x0  }
.LBB2_2:
0x28: {  	s25 =	sadd.s32 s23, s12  }
0x29: {  	[sflag:s14] =	ssyncadd.s32 $0xFFFFC000;
	s26 =	smov.u32 s24;
	s28 =	sadd.s32 $0x10, s24  }
0x2a: {  	[tilespmem:s3], [sflag:$0x2] =	stream.linear.gather [hbm4b:s25+s3], $0x80, $0x38;
	[tilespmem:$0x18A00] =	vst v63  }
0x2b: {  	p0 =	sne.s32 s24, $0x4D0;
	_ =	swait.ge [sflag:s14], $0x80  }
0x2c: {  	[sflag:s14] =	ssyncset.done $0x0  }
0x2d: {  	s24 =	sadd.s32 s23, s11;
	s23 =	smov.u32 s26;
	[sflag:s14] =	ssyncadd.s32 $0xFFFFFF80  }
0x2e: {  	[tilespmem:s15], [sflag:$0x2] =	stream.linear.gather [hbm4b:s24+s3], $0x80, $0x38;
	[tilespmem:$0x18A00] =	vst v63  }
0x2f: {  	_ =	swait.ge [sflag:s14], $0x80  }
0x30: {  	[sflag:s14] =	ssyncset.done $0x0  }
0x31: {  	[sflag:s14] =	ssyncadd.s32 $0xFFFFFF80  }
0x32: {  	[tilespmem:s16], [sflag:$0x1] =	stream.indirect.gather [hbm4b:s4+s15], $0x80, s3, s15, $0xb8;
	[tilespmem:$0x18A00] =	vst v63  }
0x33: {  	_ =	swait.ge [sflag:s17], $0x4000  }
.Ltmp0:
0x34: {  	[sflag:s17] =	ssyncset.done $0x0;
	(pc) =	sbr.rel @p0 .LBB2_2-.Ltmp0, $4  }
0x35: {  	[sflag:s17] =	ssyncadd.s32 $0xFFFFC000  }
0x36: {  	[spmem:s1] =	stream.indirect.scatter.add.f32 [tilespmem:s16], [sflag:$0x2], $0x80, s15, s15, $0xb8;
	[tilespmem:$0x18A00] =	vst v63  }
0x37: {  	_ =	swait.ge [sflag:s14], $0x4000  }
0x38: {  	s24 =	smov.u32 s28;
	[sflag:s14] =	ssyncset.done $0x0  }
0x39: {  	s24 =	sadd.s32 s23, s12;
	[sflag:s14] =	ssyncadd.s32 $0xFFFFC000  }
0x3a: {  	[tilespmem:s3], [sflag:$0x2] =	stream.linear.gather [hbm4b:s24+s3], $0x80, $0x38;
	[tilespmem:$0x18A00] =	vst v63  }
0x3b: {  	_ =	swait.ge [sflag:s14], $0x80  }
0x3c: {  	[sflag:s14] =	ssyncset.done $0x0  }
0x3d: {  	s31 =	sadd.s32 s23, s11;
	[sflag:s14] =	ssyncadd.s32 $0xFFFFFF80  }
0x3e: {  	[tilespmem:s15], [sflag:$0x2] =	stream.linear.gather [hbm4b:s31+s3], $0x80, $0x38;
	[tilespmem:$0x18A00] =	vst v63  }
0x3f: {  	_ =	swait.ge [sflag:s14], $0x80  }
0x40: {  	[sflag:s14] =	ssyncset.done $0x0  }
0x41: {  	[sflag:s14] =	ssyncadd.s32 $0xFFFFFF80  }
0x42: {  	[tilespmem:s16], [sflag:$0x1] =	stream.indirect.gather [hbm4b:s4+s15], $0x80, s3, s15, $0xb8;
	[tilespmem:$0x18A00] =	vst v63  }
0x43: {  	_ =	swait.ge [sflag:s17], $0x4000  }
0x44: {  	[sflag:s17] =	ssyncset.done $0x0  }
0x45: {  	[sflag:s17] =	ssyncadd.s32 $0xFFFFC000  }
0x46: {  	[spmem:s1] =	stream.indirect.scatter.add.f32 [tilespmem:s16], [sflag:$0x2], $0x80, s15, s15, $0xb8;
	[tilespmem:$0x18A00] =	vst v63  }
0x47: {  	_ =	swait.ge [sflag:s14], $0x4000  }
0x48: {  	[sflag:s14] =	ssyncset.done $0x0  }
0x49: {  	[sflag:s14] =	ssyncadd.s32 $0xFFFFC000  }
0x4a: {  	[tilespmem:s18], [sflag:$0x2] =	stream.linear.gather [hbm4b:s7+s3], $0x10, $0x38;
	[tilespmem:$0x18A00] =	vst v63  }
0x4b: {  	_ =	swait.ge [sflag:s14], $0x10  }
0x4c: {  	[sflag:s14] =	ssyncset.done $0x0  }
0x4d: {  	[sflag:s14] =	ssyncadd.s32 $0xFFFFFFF0  }
0x4e: {  	[tilespmem:s19], [sflag:$0x2] =	stream.linear.gather [hbm4b:s8+s3], $0x10, $0x38;
	[tilespmem:$0x18A00] =	vst v63  }
0x4f: {  	_ =	swait.ge [sflag:s14], $0x10  }
0x50: {  	[sflag:s14] =	ssyncset.done $0x0  }
0x51: {  	[sflag:s14] =	ssyncadd.s32 $0xFFFFFFF0  }
0x52: {  	[tilespmem:s21], [sflag:$0x1] =	stream.indirect.gather [hbm4b:s4+s20], $0x80, s18, s20, $0xb8;
	[tilespmem:$0x18A00] =	vst v63  }
0x53: {  	_ =	swait.ge [sflag:s17], $0x800  }
0x54: {  	[sflag:s17] =	ssyncset.done $0x0  }
0x55: {  	[sflag:s17] =	ssyncadd.s32 $0xFFFFF800  }
0x56: {  	[spmem:s1] =	stream.indirect.scatter.add.f32 [tilespmem:s21], [sflag:$0x2], $0x80, s19, s20, $0xb8;
	[tilespmem:$0x18A00] =	vst v63  }
0x57: {  	_ =	swait.ge [sflag:s14], $0x800  }
0x58: {  	s22 =	sadd.s32 $0x1, s22;
	[sflag:s14] =	ssyncset.done $0x0  }
0x59: {  	p0 =	sne.s32 s22, s10;
	[sflag:s14] =	ssyncadd.s32 $0xFFFFF800  }
.Ltmp1:
0x5a: {  	[bflag:$0x0] =	sbarrier.arrive $0xFFFF;
	(pc) =	sbr.rel @p0 .LBB2_1-.Ltmp1, $4  }
0x5b: {  	[hbm:s9], [sflag:s6] =	dma.local [spmem:s13], $0x2800  }
0x5c: {  	_ =	swait.ge [sflag:s14], $0x2800  }
0x5d: {  	[sflag:s14] =	ssyncset.done $0x0  }
0x5e: {  	[sflag:s14] =	ssyncadd.s32 $0xFFFFD800  }
0x5f: {  	_ =	sfence.sel $0x180000  }
0x60: {  	[bflag:$0x0] =	sbarrier.arrive $0xFFFF  }
0x61: {  	p0 =	sne.s32 s2, $0x0;
	_ =	strace $0x90000047  }
0x62: {  	s0 =	sadd.s32 @!p0 $0x100000, s0;
	[bflag:$0x2] =	sbarrier.arrive $0xFFFF  }
0x63: {  	[sflag:s0] =	ssyncadd.tile.s32 @!p0 $0x1;
	_ =	shalt  }
.Lfunc_end2:
_tile_overlayer_lowered:
.L_overlay_start_2:
0x64: {  	(tag) =	ssettag $0x2  }
0x65: {  	s0 =	rddreg [dreg:$0x0];
	s2 =	stileid.u32  }
0x66: {  	s1 =	rddreg [dreg:$0x1];
	p0 =	sne.s32 s2, $0x0  }
0x67: {  	s3 =	rddreg [dreg:$0x2];
	[bflag:$0x3] =	sbarrier.arrive $0xFFFF;
	s2 =	simm.s32 @!p0 $0x1C02  }
0x68: {  	[timem:s3], [sflag:s2] =	dma.local @!p0 [hbm:s0], s1  }
0x69: {  	s0 =	simm.s32 @!p0 $0x2  }
0x6a: {  	_ =	swait.ge @!p0 [sflag:s0], s1  }
0x6b: {  	s1 =	ssub.s32 @!p0 $0x0, s1;
	[sflag:s0] =	ssyncset.done @!p0 $0x0  }
0x6c: {  	[sflag:s0] =	ssyncadd.s32 @!p0 s1  }
0x6d: {  	[bflag:$0x3] =	sbarrier.arrive $0xFFFF  }
0x6e: {  	_ =	shalt  }

// kernel: sparse-core-data-format-call.cloned.1.call-start
scs
called_computation_lowered:
.L_overlay_start_0:
0x0: {  	s2 =	sld [smem:$0x3FD9]  }
0x1: {  	s3 =	sld [smem:$0x3FFE];
	_ =	sdelay $0x1  }
0x2: {  	s1 =	srdreg.scid  }
0x3: {  	s0 =	sand.u32 $0x1, s1  }
0x4: {  	s18 =	sshll.u32 s0, $0xA;
	s2 =	sadd.s32 s3, s2  }
0x5: {  	s2 =	sadd.s32 s2, s18  }
0x6: {  	[smem:$0x3FBC] =	sst s2  }
0x7: {  	_ = 	snop  }
0x8: {  	s2 =	sld [smem:$0x3FD0];
	(tm) =	ssettm $0x1  }
0x9: {  	s19 =	sld [smem:$0x3FFB];
	_ =	sdelay $0x3  }
0xa: {  	_ =	strace s19  }
0xb: {  	s3 =	sld [smem:$0x3FFC];
	_ =	sdelay $0x3  }
0xc: {  	_ =	strace s3  }
0xd: {  	s3 =	sld [smem:$0x3FFD];
	_ =	sdelay $0x3  }
0xe: {  	_ =	strace s3  }
0xf: {  	_ =	strace $0x8FFFFFFF  }
0x10: {  	s20 =	sld [smem:$0x3FDB];
	_ =	sdelay $0x1  }
0x11: {  	s4 =	simm.s32 $_scs_section_size  }
0x12: {  	s5 =	simm.s32 $_size__tile_overlayer_lowered;
	s6 =	simm.s32 $_tile_overlayer_lowered  }
0x13: {  	s23 =	simm.s32 $0x1BFF;
	s22 =	sshll.u32 s6, $0x1;
	s3 =	sadd.s32 s4, s20  }
0x14: {  	s7 =	simm.s32 $0x0;
	s21 =	sshll.u32 s5, $0x1;
	s5 =	sadd.s32 s22, s3  }
0x15: {  	[timem:s7], [sflag:s23] =	dma.local [hbm:s5], s21  }
0x16: {  	_ =	swait.ge [sflag:s23], s21  }
0x17: {  	s4 =	ssub.s32 $0x0, s21;
	[sflag:s23] =	ssyncset.done $0x0  }
0x18: {  	[sflag:s23] =	ssyncadd.s32 s4;
	_ =	sdelay $0x1  }
0x19: {  	s24 =	simm.s32 $0x1B8B  }
0x1a: {  	_ =	swait.ge [sflag:s24], $0x1  }
0x1b: {  	[sflag:s24] =	ssyncset.done $0x0  }
0x1c: {  	s26 =	simm.s32 $0x1B8E;
	s25 =	sld [smem:$0x3FFE];
	[sflag:s24] =	ssyncadd.s32 $0xFFFFFFFF  }
0x1d: {  	s27 =	simm.s32 $execute0_lowered;
	[smem:$0x3FD2] =	sst s26  }
0x1e: {  	s5 =	sshll.u32 s27, $0x1;
	_ =	strace $0x8000004F;
	[dreg:$0x1] =	wrdreg $0xFFFFFFFF  }
0x1f: {  	s28 =	simm.s32 $_size_execute0_lowered;
	s3 =	sadd.s32 s3, s5;
	[dreg:$0x0] =	wrdreg $0x0  }
0x20: {  	s5 =	sshll.u32 s28, $0x1;
	[dreg:$0x2] =	wrdreg s3  }
0x21: {  	[dreg:$0x3] =	wrdreg s5  }
0x22: {  	[dreg:$0x4] =	wrdreg $0xC0  }
0x23: {  	_ =	task [dreg:s7], $0x5FFFF  }
0x24: {  	[dreg:$0x1] =	wrdreg $0xFFFFFFFF  }
0x25: {  	[dreg:$0x0] =	wrdreg $0x60  }
0x26: {  	[dreg:$0x2] =	wrdreg s25  }
0x27: {  	[dreg:$0x3] =	wrdreg s2  }
0x28: {  	[dreg:$0x4] =	wrdreg $0x9  }
0x29: {  	_ =	task.clear_ibuf [dreg:s7], $0x5FFFF;
	_ =	strace $0x9000004F  }
0x2a: {  	s29 =	simm.s32 $0x9;
	_ =	strace $0x80000051  }
0x2b: {  	_ =	swait.ge [sflag:s29], $0x1  }
0x2c: {  	[sflag:s29] =	ssyncadd.s32 $0xFFFFFFFF  }
0x2d: {  	_ =	strace $0x90000051  }
0x2e: {  	_ =	sfence  }
0x2f: {  	s30 =	sld [smem:$0x0];
	_ =	sdelay $0x2  }
0x30: {  	s31 =	sshll.u32 s1, $0xD;
	s1 =	sshrl.u32 s1, $0x2  }
0x31: {  	s3 =	sand.u32 $0x4000, s31;
	s1 =	sadd.s32 s1, s30  }
0x32: {  	s0 =	sor.u32 s3, s0;
	s1 =	sshll.u32 s1, $0x11  }
0x33: {  	s0 =	sor.u32 s1, s0  }
0x34: {  	s0 =	sadd.s32 $0x8F2B, s0  }
0x35: {  	[sflag:s0] =	ssyncadd.remote.s32 $0x1  }
0x36: {  	_ =	sfence.sel $0xFFFF  }
0x37: {  	[dreg:$0x0] =	wrdreg $0xFFFFFFFF;
	(pc) =	sbr.abs _section_cstart, $3  }
0x38: {  	[dreg:$0x1] =	wrdreg $0xFFFFFFFF  }
0x39: {  	_ =	task.clear_ibuf [dreg:s7], $0x2FFFF;
	_ =	strace $0x9FFFFFFF  }
0x3a: {  	(tm) =	ssettm $0x7FFFFFFF  }
0x3b: {  	_ =	shalt  }
tec
execute0_lowered:
.L_overlay_start_1:
0x0: {  	(tag) =	ssettag $0x1  }
0x1: {  	s0 =	srdreg.scid  }
0x2: {  	s5 =	rddreg [dreg:$0x0];
	s1 =	sshll.u32 s0, $0x4  }
0x3: {  	s2 =	rddreg [dreg:$0x1];
	s0 =	stileid.u32;
	s1 =	sand.u32 $0x10, s1  }
0x4: {  	s4 =	simm.s32 $0x1;
	s8 =	simm.s32 $0x2;
	s1 =	sor.u32 s0, s1  }
0x5: {  	s12 =	simm.s32 $0x0;
	s9 =	simm.s32 $0x0;
	s3 =	sshll.u32 s1, $0x7  }
0x6: {  	s11 =	simm.s32 $0x0;
	s5 =	sadd.s32 $0x29B200, s5;
	s6 =	ssub.s32 $0x4E200, s3  }
.Ltmp0:
0x7: {  	s1 =	rddreg [dreg:$0x2];
	s7 =	sand.u32 $0xF80, s6;
	(pc) =	sbr.rel .LBB1_1-.Ltmp0, $4  }
0x8: {  	_ =	strace $0x80000050;
	p0 =	sne.s32 s7, $0x0;
	s7 =	simm.s32 $0x1  }
0x9: {  	[sflag:s4] =	ssyncpa.u1 $0x0;
	s6 =	sshrl.u32 s6, $0xC;
	s7 =	simm.s32 @!p0 $0x0  }
0xa: {  	s10 =	smov.u32 s3;
	[sflag:s8] =	ssyncpa.u1 $0x0;
	s6 =	sadd.s32 s7, s6  }
0xb: {  	s8 =	simm.s32 $0x271000;
	p0 =	por $0x0, $0x0;
	s7 =	sadd.s32 $0x1, s6  }
.LBB1_4:
0xc: {  	s15 =	sshll.u32 s9, $0x3  }
0xd: {  	s16 =	sand.u32 $0x7F, s9;
	s15 =	sand.u32 $0xFFFFFC00, s15  }
0xe: {  	s16 =	sor.u32 s16, s15;
	s15 =	smulhi.u32 $0xD1B71759, s15;
	_ =	sdelay $0x1  }
0xf: {  	s17 =	smulhi.u32 $0xD1B71759, s16;
	s15 =	sshrl.u32 s15, $0x12  }
0x10: {  	p1 =	sgt.s32 s9, $0x4E180;
	s19 =	smov.u32 s9;
	s18 =	smul.u32 $0x4925, s15  }
0x11: {  	s20 =	sshra.s32 s9, $0x1F;
	s19 =	simm.s32 @!p1 $0x4E180;
	s17 =	sshrl.u32 s17, $0x12  }
0x12: {  	s20 =	sand.u32 s20, s9;
	s17 =	smul.u32 $0x4E200, s17;
	s18 =	sshrl.u32 s18, $0x14  }
0x13: {  	s27 =	ssub.s32 s19, s20;
	s18 =	smul.u32 $0x38, s18  }
0x14: {  	s28 =	sadd.s32 $0xFFFB1E80, s27  }
0x15: {  	s16 =	ssub.s32 s16, s17;
	s17 =	ssub.s32 $0x4E200, s27;
	s15 =	ssub.s32 s15, s18  }
0x16: {  	p1 =	sgt.s32 s28, $0x7F;
	s17 =	smul.u32 $0xE0, s17;
	s15 =	sand.u32 $0xFFFF, s15  }
0x17: {  	[tilespmem:s14+$0x810 ss:$0x81] =	vst.msk $0xffff, v2;
	s29 =	sshrl.u32 s16, $0x3;
	s16 =	sand.u32 $0x7, s16;
	s15 =	smul.u32 $0x9C40, s15  }
0x18: {  	[tilespmem:s14+$0x1020 ss:$0x81] =	vst.msk $0xffff, v0;
	s18 =	sadd.s32 s2, s29;
	s16 =	sshll.u32 s16, $0x12;
	s17 =	sshrl.u32 s17, $0x2  }
0x19: {  	[tilespmem:s14+$0x0 ss:$0x81] =	vst.msk $0xffff, v1;
	s31 =	sor.u32 $0x400, s16;
	s17 =	simm.s32 @p1 $0x0;
	s30 =	sadd.s32 s15, s18  }
0x1a: {  	[hbm4b:s30+s31] =	stream.strided.scatter [tilespmem:s13], [sflag:$0x2], s17, s8, s31, $0x20;
	[tilespmem:$0x8080] =	vst v63  }
.LBB1_5:
0x1b: {  	p1 =	slt.u32 s11, $0x2  }
0x1c: {  	p2 =	sgt.s32 @!p1 s12, $0x4E180  }
0x1d: {  	s13 =	smov.u32 s12;
	s14 =	sshra.s32 @!p1 s12, $0x1F;
	p2 =	por !p2, p1  }
0x1e: {  	s12 =	sand.u32 @!p1 s14, s12;
	s13 =	simm.s32 @p2 $0x4E180  }
0x1f: {  	s12 =	ssub.s32 @!p1 s13, s12  }
0x20: {  	s13 =	ssub.s32 @!p1 $0x4E200, s12  }
0x21: {  	s12 =	sadd.s32 @!p1 $0xFFFB1E80, s12;
	s13 =	smul.u32 @!p1 $0xE0, s13  }
0x22: {  	p2 =	sgt.s32 @!p1 s12, $0x7F  }
0x23: {  	s14 =	sadd.s32 $0x1000, s10;
	p2 =	por !p2, p1;
	s12 =	sshrl.u32 @!p1 s13, $0x2  }
0x24: {  	s12 =	simm.s32 @!p2 $0x0;
	p2 =	sgt.s32 s14, $0x4E1FF  }
0x25: {  	s14 =	smov.u32 @p2 s3;
	p2 =	sne.s32 s11, s7  }
.Ltmp1:
0x26: {  	_ = 	snop;
	(pc) =	sbr.rel @!p2 .LBB1_6-.Ltmp1, $4  }
0x27: {  	s13 =	simm.s32 @!p1 $0x2  }
0x28: {  	p0 =	por !p0, !p0;
	_ =	swait.ge @!p1 [sflag:s13], s12;
	s15 =	ssub.s32 @!p1 $0x0, s12  }
0x29: {  	s12 =	smov.u32 s9;
	s11 =	sadd.s32 $0x1, s11;
	[sflag:s13] =	ssyncset.done @!p1 $0x0  }
0x2a: {  	s9 =	smov.u32 s10;
	s10 =	smov.u32 s14;
	[sflag:s13] =	ssyncadd.s32 @!p1 s15  }
.LBB1_1:
0x2b: {  	p1 =	sge.u32 s11, s6  }
0x2c: {  	s13 =	sand.u32 @!p1 $0x1FFFFFF, s10  }
0x2d: {  	s14 =	smulhi.u32 @!p1 $0x1A36E2F, s13;
	_ =	sdelay $0x1  }
0x2e: {  	s14 =	sshrl.u32 @!p1 s14, $0xB  }
0x2f: {  	s14 =	smul.u32 @!p1 $0x4E200, s14;
	_ =	sdelay $0x1  }
0x30: {  	s31 =	sadd.s32 $0xFFFFFFFF, s11;
	s15 =	sxor.u32 @!p1 $0xFFFFFFFF, s11;
	s13 =	ssub.s32 @!p1 s13, s14  }
0x31: {  	s16 =	simm.s32 @!p1 $0x80;
	s15 =	sshll.u32 @!p1 s15, $0xD;
	s13 =	sshll.u32 @!p1 s13, $0x4  }
0x32: {  	s14 =	sand.u32 @!p1 $0x2000, s15;
	s15 =	simm.s32 @!p1 $0x40;
	s13 =	sadd.s32 @!p1 s5, s13  }
0x33: {  	[tilespmem:s14], [sflag:$0x1] =	stream.strided.gather @!p1 [hbm4b:s13+s15], $0x2000, s16, s15, $0x38;
	[tilespmem:$0x8080] =	vst v63  }
0x34: {  	p1 =	sge.u32 s31, s6  }
.Ltmp2:
0x35: {  	_ = 	snop;
	(pc) =	sbr.rel @p1 .LBB1_5-.Ltmp2, $1  }
0x36: {  	_ =	sdelay $0x3  }
0x37: {  	s13 =	simm.s32 $0x1  }
0x38: {  	_ =	swait.ge [sflag:s4], $0x2000;
	s13 =	simm.s32 @!p0 $0x0  }
0x39: {  	[sflag:s4] =	ssyncset.done $0x0;
	s14 =	sshll.u32 s13, $0xD  }
0x3a: {  	[sflag:s4] =	ssyncadd.s32 $0xFFFFE000;
	s17 =	sor.u32 $0x20, s14  }
0x3b: {  	s13 =	smul.u32 $0x8100, s13;
	v3 =	vld [tilespmem:s17+$0x10]  }
0x3c: {  	s30 =	sand.u32 $0x1, s11;
	v2 =	vld [tilespmem:s17+$0xFFFFFFF0]  }
0x3d: {  	s14 =	smul.u32 $0x8100, s30;
	s13 =	sshrl.u32 s13, $0x2;
	v0 =	vld [tilespmem:s17+$0x0]  }
0x3e: {  	v1 =	vld [tilespmem:s17+$0xFFFFFFE0];
	s15 =	sor.u32 $0x4000, s13  }
0x3f: {  	s31 =	sshrl.u32 s14, $0x2;
	s14 =	sadd.s32 $0x0, s15  }
0x40: {  	s16 =	simm.s32 $0x4;
	s17 =	sadd.s32 $0x40, s17;
	s13 =	sor.u32 $0x4000, s31;
	[tilespmem:s14+$0x1830 ss:$0x81] =	vst.msk $0xffff, v3  }
.LBB1_3:
0x41: {  	v3 =	vld [tilespmem:s17+$0x10];
	p1 =	sne.s32 s16, $0x1FC;
	[tilespmem:s14+$0x810 ss:$0x81] =	vst.msk $0xffff, v2;
	s18 =	smov.u32 s16;
	s16 =	sadd.s32 $0x4, s16  }
.Ltmp3:
0x42: {  	v2 =	vld [tilespmem:s17+$0xFFFFFFF0];
	[tilespmem:s14+$0x1020 ss:$0x81] =	vst.msk $0xffff, v0;
	(pc) =	sbr.rel @p1 .LBB1_3-.Ltmp3, $4  }
0x43: {  	v0 =	vld [tilespmem:s17+$0x0];
	[tilespmem:s14+$0x0 ss:$0x81] =	vst.msk $0xffff, v1  }
0x44: {  	s14 =	sshra.s32 s18, $0x2;
	v1 =	vld [tilespmem:s17+$0xFFFFFFE0]  }
0x45: {  	s14 =	sadd.s32 s14, s15  }
0x46: {  	s17 =	sadd.s32 $0x40, s17;
	[tilespmem:s14+$0x1830 ss:$0x81] =	vst.msk $0xffff, v3  }
.Ltmp4:
0x47: {  	_ = 	snop;
	(pc) =	sbr.rel .LBB1_4-.Ltmp4, $1  }
0x48: {  	_ =	sdelay $0x3  }
.LBB1_6:
0x49: {  	_ =	sfence.sel $0x180000  }
0x4a: {  	s2 =	simm.s32 $0x1;
	[bflag:$0x0] =	sbarrier.arrive $0xFFFF  }
0x4b: {  	s31 =	simm.s32 $0x2;
	[sflag:s2] =	ssyncpa.u1 $0x1  }
0x4c: {  	[sflag:s31] =	ssyncpa.u1 $0x1  }
0x4d: {  	p0 =	sne.s32 s0, $0x0;
	_ =	strace $0x90000050  }
0x4e: {  	s0 =	sadd.s32 @!p0 $0x100000, s1;
	[bflag:$0x2] =	sbarrier.arrive $0xFFFF  }
0x4f: {  	[sflag:s0] =	ssyncadd.tile.s32 @!p0 $0x1;
	_ =	shalt  }
.Lfunc_end1:
_tile_overlayer_lowered:
.L_overlay_start_2:
0x50: {  	(tag) =	ssettag $0x2  }
0x51: {  	s0 =	rddreg [dreg:$0x0];
	s2 =	stileid.u32  }
0x52: {  	s1 =	rddreg [dreg:$0x1];
	p0 =	sne.s32 s2, $0x0  }
0x53: {  	s3 =	rddreg [dreg:$0x2];
	[bflag:$0x3] =	sbarrier.arrive $0xFFFF;
	s2 =	simm.s32 @!p0 $0x1C01  }
0x54: {  	[timem:s3], [sflag:s2] =	dma.local @!p0 [hbm:s0], s1  }
0x55: {  	s0 =	simm.s32 @!p0 $0x1  }
0x56: {  	_ =	swait.ge @!p0 [sflag:s0], s1  }
0x57: {  	s1 =	ssub.s32 @!p0 $0x0, s1;
	[sflag:s0] =	ssyncset.done @!p0 $0x0  }
0x58: {  	[sflag:s0] =	ssyncadd.s32 @!p0 s1  }
0x59: {  	[bflag:$0x3] =	sbarrier.arrive $0xFFFF  }
0x5a: {  	_ =	shalt  }

</sc_bundles>
